<compile_context>
chip_gen: v7x
topology: tpu7x:2x2x1
jax: 0.10.2.dev20260603
libtpu: 0.0.44.dev20260713+nightly
codegen_flags: <defaults>
</compile_context>

<pallas_src>
import functools

import jax
import jax.numpy as jnp
from jax import lax
from jax.experimental import pallas as pl
from jax.experimental.pallas import tpu as pltpu
from jax.experimental.pallas import tpu_sc as plsc

_LOG2 = 0.6931471805599453
_R_CUTOFF = 5.0


def _sp(v):
    return jnp.maximum(v, 0.0) + jnp.log(1.0 + jnp.exp(-jnp.abs(v))) - _LOG2



def _in2f_body(x_ref, w_ref, y_ref):
    y_ref[...] = jnp.dot(x_ref[...], w_ref[...],
                         preferred_element_type=jnp.float32)


def _in2f(x, w):
    n, f_in = x.shape
    f_out = w.shape[1]
    blk = 2000 if n % 2000 == 0 else n
    return pl.pallas_call(
        _in2f_body,
        grid=(n // blk,),
        in_specs=[
            pl.BlockSpec((blk, f_in), lambda i: (i, 0)),
            pl.BlockSpec((f_in, f_out), lambda i: (0, 0)),
        ],
        out_specs=pl.BlockSpec((blk, f_out), lambda i: (i, 0)),
        out_shape=jax.ShapeDtypeStruct((n, f_out), jnp.float32),
    )(x, w)



def _sc_gather(y, idx3d):
    info = plsc.get_sparse_core_info()
    nc, ns = info.num_cores, info.num_subcores
    nw = nc * ns
    nw_a, cpw, c_len = idx3d.shape
    assert nw_a == nw
    d = y.shape[1]
    b_tot = nw * cpw * c_len

    mesh = plsc.VectorSubcoreMesh(core_axis_name="c", subcore_axis_name="s")

    ring = 6
    ahead = 3

    @functools.partial(
        pl.kernel, mesh=mesh,
        out_type=jax.ShapeDtypeStruct((b_tot, d), y.dtype),
        scratch_types=[
            pltpu.VMEM((cpw, c_len), jnp.int32),
        ] + [pltpu.VMEM((c_len, d), y.dtype) for _ in range(ring)]
          + [pltpu.SemaphoreType.DMA for _ in range(2 * ring)],
    )
    def gather_kernel(y_hbm, idx_hbm, out_hbm, idx_v, *rest):
        bufs = rest[:ring]
        gsems = rest[ring:2 * ring]
        ssems = rest[2 * ring:]
        wid = lax.axis_index("s") * nc + lax.axis_index("c")
        base = wid * cpw
        pltpu.sync_copy(idx_hbm.at[wid], idx_v)

        def fire_g(c, k):
            pltpu.async_copy(y_hbm.at[idx_v.at[c]], bufs[k], gsems[k])

        def wait_g(c, k):
            pltpu.make_async_copy(y_hbm.at[idx_v.at[c]], bufs[k],
                                  gsems[k]).wait()

        def fire_s(c, k):
            pltpu.async_copy(bufs[k],
                             out_hbm.at[pl.ds((base + c) * c_len, c_len)],
                             ssems[k])

        def wait_s(c, k):
            pltpu.make_async_copy(bufs[k],
                                  out_hbm.at[pl.ds((base + c) * c_len, c_len)],
                                  ssems[k]).wait()

        for k in range(ahead):
            fire_g(k, k)

        n_iter = (cpw + ring - 1) // ring

        def body(j, carry):
            c0 = j * ring
            for k in range(ring):
                c = c0 + k

                @pl.when(c < cpw)
                def _(c=c, k=k):
                    wait_g(c, k)
                    fire_s(c, k)

                kg = (k + ahead) % ring

                @pl.when(c + ahead < cpw)
                def _(c=c, kg=kg):
                    @pl.when(c >= ring - ahead)
                    def _():
                        wait_s(c + ahead - ring, kg)
                    fire_g(c + ahead, kg)
            return carry

        lax.fori_loop(0, n_iter, body, 0)
        for c in range(max(0, cpw - ring), cpw):
            wait_s(c, c % ring)

    return gather_kernel(y, idx3d)



def _fused_body(dre_ref, g_ref, dr_ref, pm_ref,
                wf1_ref, bf1_ref, wf2_ref, bf2_ref,
                wfo_ref, bfo_ref, wo_ref, bo_ref, out_ref):
    a, nb = dr_ref.shape
    f = g_ref.shape[1]
    n_sb = dre_ref.shape[2]
    h = jnp.dot(dre_ref[...].reshape(a * nb, n_sb), wf1_ref[...],
                preferred_element_type=jnp.float32) + bf1_ref[...]
    h = _sp(h)
    w = jnp.dot(h, wf2_ref[...],
                preferred_element_type=jnp.float32) + bf2_ref[...]
    m = pm_ref[...] * (dr_ref[...] < _R_CUTOFF).astype(jnp.float32)
    prod = (g_ref[...] * w).reshape(a, nb, f) * m[:, :, None]
    agg = jnp.sum(prod, axis=1)
    t = _sp(jnp.dot(agg, wfo_ref[...],
                     preferred_element_type=jnp.float32) + bfo_ref[...])
    out_ref[...] = jnp.dot(t, wo_ref[...],
                           preferred_element_type=jnp.float32) + bo_ref[...]


def _fused(dre3, g, dr, pm, wf1, bf1, wf2, bf2, wfo, bfo, wo, bo,
           a0=0, n_rows=None):
    n_a, nb = dr.shape
    if n_rows is None:
        n_rows = n_a
    n_sb = dre3.shape[2]
    f = g.shape[1]
    blk_a = 200
    grid = (n_rows // blk_a,)
    b0 = a0 // blk_a
    full = lambda shape: pl.BlockSpec(shape, lambda i, _s=shape: tuple(0 for _ in _s))
    return pl.pallas_call(
        _fused_body,
        grid=grid,
        in_specs=[
            pl.BlockSpec((blk_a, nb, n_sb), lambda i: (b0 + i, 0, 0)),
            pl.BlockSpec((blk_a * nb, f), lambda i: (i, 0)),
            pl.BlockSpec((blk_a, nb), lambda i: (b0 + i, 0)),
            pl.BlockSpec((blk_a, nb), lambda i: (b0 + i, 0)),
            full(wf1.shape), full(bf1.shape), full(wf2.shape), full(bf2.shape),
            full(wfo.shape), full(bfo.shape), full(wo.shape), full(bo.shape),
        ],
        out_specs=pl.BlockSpec((blk_a, f), lambda i: (i, 0)),
        out_shape=jax.ShapeDtypeStruct((n_rows, f), jnp.float32),
    )(dre3, g, dr, pm, wf1, bf1, wf2, bf2, wfo, bfo, wo, bo)



def kernel(x, dR, neighbors, pairwise_mask, dR_expanded,
           W_in2f, Wf1, bf1, Wf2, bf2, W_f2out, b_f2out, W_out, b_out):
    n_a, f = x.shape
    nb = neighbors.shape[1]
    n_sb = dR_expanded.shape[2]

    y = _in2f(x, W_in2f)
    idx = neighbors.astype(jnp.int32)
    c_len = 80
    g = _sc_gather(y, idx.reshape(32, n_a * nb // (32 * c_len), c_len))
    ws = (Wf1, bf1.reshape(1, -1), Wf2, bf2.reshape(1, -1),
          W_f2out, b_f2out.reshape(1, -1), W_out, b_out.reshape(1, -1))
    return _fused(dR_expanded, g, dR, pairwise_mask, *ws)

# --- scband reference (transcript-rebuilt; emitter-appended) ---
"""Pipeline reference for scband-interaction-6262062317920 (READ-ONLY COPY).

The authoritative reference and input builder live on the scoring server;
editing this copy changes nothing except your own understanding.
"""

import jax, jax.numpy as jnp
import numpy as np

R_CUTOFF = 5.0

def ssp(v):
    return jax.nn.softplus(v) - jnp.log(2.0)

def setup_inputs(seed: int = 0) -> dict:
    key = jax.random.key(seed)
    ks = jax.random.split(key, 12)
    N_a, N_nbh = 10000, 32
    n_atom_basis, n_filters, n_sb = 128, 128, 25
    x = jax.random.normal(ks[0], (N_a, n_atom_basis), dtype=jnp.float32)
    dR = jax.random.uniform(ks[1], (N_a, N_nbh), dtype=jnp.float32) * 10.0
    neighbors = jax.random.randint(ks[2], (N_a, N_nbh), 0, N_a)
    pairwise_mask = jnp.ones((N_a, N_nbh), dtype=jnp.float32)
    dR_expanded = jax.random.uniform(ks[3], (N_a, N_nbh, n_sb), dtype=jnp.float32)
    def lin(k, fi, fo):
        return jax.random.normal(k, (fi, fo), dtype=jnp.float32) / np.sqrt(fi)
    W_in2f = lin(ks[4], n_atom_basis, n_filters)
    Wf1 = lin(ks[5], n_sb, n_filters)
    bf1 = jnp.zeros((n_filters,), jnp.float32)
    Wf2 = lin(ks[6], n_filters, n_filters)
    bf2 = jnp.zeros((n_filters,), jnp.float32)
    W_f2out = lin(ks[7], n_filters, n_atom_basis)
    b_f2out = jnp.zeros((n_atom_basis,), jnp.float32)
    W_out = lin(ks[8], n_atom_basis, n_atom_basis)
    b_out = jnp.zeros((n_atom_basis,), jnp.float32)
    return {"x": x, "dR": dR, "neighbors": neighbors, "pairwise_mask": pairwise_mask,
            "dR_expanded": dR_expanded, "W_in2f": W_in2f, "Wf1": Wf1, "bf1": bf1,
            "Wf2": Wf2, "bf2": bf2, "W_f2out": W_f2out, "b_f2out": b_f2out,
            "W_out": W_out, "b_out": b_out}

def reference(x, dR, neighbors, pairwise_mask, dR_expanded,
              W_in2f, Wf1, bf1, Wf2, bf2, W_f2out, b_f2out, W_out, b_out):
    # FilterNetwork: Dense(n_sb->n_filters, ssp) -> Dense(n_filters->n_filters)
    W = ssp(jnp.einsum('ans,sf->anf', dR_expanded, Wf1) + bf1)
    W = jnp.einsum('anf,fg->ang', W, Wf2) + bf2
    # HardCutoff
    C = (dR < R_CUTOFF).astype(jnp.float32)
    W = W * C[..., None]
    # CFConv: in2f (no bias), neighbor gather, elementwise filter, masked sum
    y = x @ W_in2f
    y = jnp.take(y, neighbors, axis=0)  # (N_a, N_nbh, n_filters)
    y = y * W
    y = y * pairwise_mask[..., None]
    y = jnp.sum(y, axis=1)
    # f2out with shifted softplus activation
    y = ssp(y @ W_f2out + b_f2out)
    # Output dense
    y = y @ W_out + b_out
    return y

if __name__ == "__main__":
    import jax
    _d = setup_inputs()
    print(jax.jit(kernel)(*tuple(_d.values())))

</pallas_src>

<mosaic_0001>
#map = affine_map<(d0, d1) -> (0, 0)>
#map1 = affine_map<(d0, d1) -> (0, 0, 0)>
module attributes {stable_mosaic.version = 14 : i64} {
  func.func @gather_kernel(%arg0: i32, %arg1: i32, %arg2: memref<10000x128xf32, #tpu.memory_space<hbm>>, %arg3: memref<32x125x80xi32, #tpu.memory_space<hbm>>, %arg4: memref<320000x128xf32, #tpu.memory_space<hbm>>, %arg5: memref<125x80xi32, #tpu.memory_space<vmem>>, %arg6: memref<80x128xf32, #tpu.memory_space<vmem>>, %arg7: memref<80x128xf32, #tpu.memory_space<vmem>>, %arg8: memref<80x128xf32, #tpu.memory_space<vmem>>, %arg9: memref<80x128xf32, #tpu.memory_space<vmem>>, %arg10: memref<80x128xf32, #tpu.memory_space<vmem>>, %arg11: memref<80x128xf32, #tpu.memory_space<vmem>>, %arg12: memref<!tpu.dma_semaphore, #tpu.memory_space<semaphore_mem>>, %arg13: memref<!tpu.dma_semaphore, #tpu.memory_space<semaphore_mem>>, %arg14: memref<!tpu.dma_semaphore, #tpu.memory_space<semaphore_mem>>, %arg15: memref<!tpu.dma_semaphore, #tpu.memory_space<semaphore_mem>>, %arg16: memref<!tpu.dma_semaphore, #tpu.memory_space<semaphore_mem>>, %arg17: memref<!tpu.dma_semaphore, #tpu.memory_space<semaphore_mem>>, %arg18: memref<!tpu.dma_semaphore, #tpu.memory_space<semaphore_mem>>, %arg19: memref<!tpu.dma_semaphore, #tpu.memory_space<semaphore_mem>>, %arg20: memref<!tpu.dma_semaphore, #tpu.memory_space<semaphore_mem>>, %arg21: memref<!tpu.dma_semaphore, #tpu.memory_space<semaphore_mem>>, %arg22: memref<!tpu.dma_semaphore, #tpu.memory_space<semaphore_mem>>, %arg23: memref<!tpu.dma_semaphore, #tpu.memory_space<semaphore_mem>>) attributes {dimension_semantics = [#tpu.dimension_semantics<core_parallel>, #tpu.dimension_semantics<subcore_parallel>], iteration_bounds = array<i64: 2, 16>, scalar_prefetch = 0 : i64, scratch_operands = 19 : i64, tpu.core_type = #tpu.core_type<sc_vector_subcore>, window_params = [{transform_indices = #map}, {transform_indices = #map1}, {transform_indices = #map}]} {
    %mul3A = arith.constant 2 : i32
    %mul3A_0 = arith.muli %arg1, %mul3A : i32
    %add3A = arith.addi %mul3A_0, %arg0 : i32
    %mul3A_1 = arith.constant 125 : i32
    %mul3A_2 = arith.muli %add3A, %mul3A_1 : i32
    "tpu.region"() ({
      %run_scoped3A = tpu.sem_alloc : memref<!tpu.dma_semaphore, #tpu.memory_space<semaphore_mem>>
      %dma_start3A_75 = arith.constant 0 : i32
      %dma_start3A_76 = arith.constant 0 : i32
      %dma_start3A_77 = tpu.memref_slice %arg3[%add3A, %dma_start3A_75, %dma_start3A_76] : memref<32x125x80xi32, #tpu.memory_space<hbm>> -> memref<1x125x80xi32, #tpu.memory_space<hbm>>
      %dma_start3A_78 = tpu.memref_squeeze %dma_start3A_77 : memref<1x125x80xi32, #tpu.memory_space<hbm>> -> memref<125x80xi32, #tpu.memory_space<hbm>>
      %dma_start3A_79 = arith.constant 0 : i32
      %dma_start3A_80 = arith.constant 0 : i32
      %dma_start3A_81 = tpu.memref_slice %arg3[%add3A, %dma_start3A_79, %dma_start3A_80] : memref<32x125x80xi32, #tpu.memory_space<hbm>> -> memref<1x125x80xi32, #tpu.memory_space<hbm>>
      %dma_start3A_82 = tpu.memref_squeeze %dma_start3A_81 : memref<1x125x80xi32, #tpu.memory_space<hbm>> -> memref<125x80xi32, #tpu.memory_space<hbm>>
      tpu.enqueue_dma source(%dma_start3A_82 : memref<125x80xi32, #tpu.memory_space<hbm>>) target(%arg5 : memref<125x80xi32, #tpu.memory_space<vmem>>) target_semaphore(%run_scoped3A : memref<!tpu.dma_semaphore, #tpu.memory_space<semaphore_mem>>)
      %dma_wait3A_83 = arith.constant 0 : i32
      %dma_wait3A_84 = arith.constant 0 : i32
      %dma_wait3A_85 = tpu.memref_slice %arg3[%add3A, %dma_wait3A_83, %dma_wait3A_84] : memref<32x125x80xi32, #tpu.memory_space<hbm>> -> memref<1x125x80xi32, #tpu.memory_space<hbm>>
      %dma_wait3A_86 = tpu.memref_squeeze %dma_wait3A_85 : memref<1x125x80xi32, #tpu.memory_space<hbm>> -> memref<125x80xi32, #tpu.memory_space<hbm>>
      %dma_wait3A_87 = arith.constant 0 : i32
      %dma_wait3A_88 = arith.constant 0 : i32
      %dma_wait3A_89 = tpu.memref_slice %arg3[%add3A, %dma_wait3A_87, %dma_wait3A_88] : memref<32x125x80xi32, #tpu.memory_space<hbm>> -> memref<1x125x80xi32, #tpu.memory_space<hbm>>
      %dma_wait3A_90 = tpu.memref_squeeze %dma_wait3A_89 : memref<1x125x80xi32, #tpu.memory_space<hbm>> -> memref<125x80xi32, #tpu.memory_space<hbm>>
      tpu.wait_dma2 semaphore(%run_scoped3A : memref<!tpu.dma_semaphore, #tpu.memory_space<semaphore_mem>>) src(%dma_wait3A_90 : memref<125x80xi32, #tpu.memory_space<hbm>>) dst(%arg5 : memref<125x80xi32, #tpu.memory_space<vmem>>)
      tpu.yield
    }) : () -> ()
    %dma_start3A = arith.constant 0 : i32
    %dma_start3A_3 = arith.constant 0 : i32
    %dma_start3A_4 = tpu.memref_slice %arg5[%dma_start3A, %dma_start3A_3] : memref<125x80xi32, #tpu.memory_space<vmem>> -> memref<1x80xi32, #tpu.memory_space<vmem>>
    %dma_start3A_5 = tpu.memref_squeeze %dma_start3A_4 : memref<1x80xi32, #tpu.memory_space<vmem>> -> memref<80xi32, #tpu.memory_space<vmem>>
    %dma_start3A_6 = arith.constant 0 : i32
    %dma_start3A_7 = arith.constant 0 : i32
    %dma_start3A_8 = tpu.memref_slice %arg2[%dma_start3A_6, %dma_start3A_7] : memref<10000x128xf32, #tpu.memory_space<hbm>> -> memref<10000x128xf32, #tpu.memory_space<hbm>>
    tpu.enqueue_indirect_dma source(%dma_start3A_8 : memref<10000x128xf32, #tpu.memory_space<hbm>>) target(%arg6 : memref<80x128xf32, #tpu.memory_space<vmem>>) offsets(%dma_start3A_5 : memref<80xi32, #tpu.memory_space<vmem>>) semaphore(%arg12 : memref<!tpu.dma_semaphore, #tpu.memory_space<semaphore_mem>>)
    %dma_start3A_9 = arith.constant 1 : i32
    %dma_start3A_10 = arith.constant 0 : i32
    %dma_start3A_11 = tpu.memref_slice %arg5[%dma_start3A_9, %dma_start3A_10] : memref<125x80xi32, #tpu.memory_space<vmem>> -> memref<1x80xi32, #tpu.memory_space<vmem>>
    %dma_start3A_12 = tpu.memref_squeeze %dma_start3A_11 : memref<1x80xi32, #tpu.memory_space<vmem>> -> memref<80xi32, #tpu.memory_space<vmem>>
    %dma_start3A_13 = arith.constant 0 : i32
    %dma_start3A_14 = arith.constant 0 : i32
    %dma_start3A_15 = tpu.memref_slice %arg2[%dma_start3A_13, %dma_start3A_14] : memref<10000x128xf32, #tpu.memory_space<hbm>> -> memref<10000x128xf32, #tpu.memory_space<hbm>>
    tpu.enqueue_indirect_dma source(%dma_start3A_15 : memref<10000x128xf32, #tpu.memory_space<hbm>>) target(%arg7 : memref<80x128xf32, #tpu.memory_space<vmem>>) offsets(%dma_start3A_12 : memref<80xi32, #tpu.memory_space<vmem>>) semaphore(%arg13 : memref<!tpu.dma_semaphore, #tpu.memory_space<semaphore_mem>>)
    %dma_start3A_16 = arith.constant 2 : i32
    %dma_start3A_17 = arith.constant 0 : i32
    %dma_start3A_18 = tpu.memref_slice %arg5[%dma_start3A_16, %dma_start3A_17] : memref<125x80xi32, #tpu.memory_space<vmem>> -> memref<1x80xi32, #tpu.memory_space<vmem>>
    %dma_start3A_19 = tpu.memref_squeeze %dma_start3A_18 : memref<1x80xi32, #tpu.memory_space<vmem>> -> memref<80xi32, #tpu.memory_space<vmem>>
    %dma_start3A_20 = arith.constant 0 : i32
    %dma_start3A_21 = arith.constant 0 : i32
    %dma_start3A_22 = tpu.memref_slice %arg2[%dma_start3A_20, %dma_start3A_21] : memref<10000x128xf32, #tpu.memory_space<hbm>> -> memref<10000x128xf32, #tpu.memory_space<hbm>>
    tpu.enqueue_indirect_dma source(%dma_start3A_22 : memref<10000x128xf32, #tpu.memory_space<hbm>>) target(%arg8 : memref<80x128xf32, #tpu.memory_space<vmem>>) offsets(%dma_start3A_19 : memref<80xi32, #tpu.memory_space<vmem>>) semaphore(%arg14 : memref<!tpu.dma_semaphore, #tpu.memory_space<semaphore_mem>>)
    %scan3A = arith.constant 0 : i32
    %scan3A_23 = arith.constant 0 : i32
    %scan3A_24 = arith.constant 21 : i32
    %scan3A_25 = arith.addi %scan3A_23, %scan3A_24 : i32
    %scan3A_26 = arith.constant 1 : i32
    scf.for %scan3A_75 = %scan3A_23 to %scan3A_25 step %scan3A_26  : i32 {
      %mul3A_76 = arith.constant 6 : i32
      %mul3A_77 = arith.muli %scan3A_75, %mul3A_76 : i32
      %add3A_78 = arith.constant 0 : i32
      %add3A_79 = arith.addi %mul3A_77, %add3A_78 : i32
      %lt3A = arith.constant 125 : i32
      %lt3A_80 = arith.cmpi slt, %add3A_79, %lt3A : i32
      %convert_element_type3A = arith.extui %lt3A_80 : i1 to i32
      %cond3A = arith.constant 0 : i32
      %cond3A_81 = arith.cmpi ne, %convert_element_type3A, %cond3A : i32
      scf.if %cond3A_81 {
        %dma_wait3A_159 = arith.constant 0 : i32
        %dma_wait3A_160 = tpu.memref_slice %arg5[%add3A_79, %dma_wait3A_159] : memref<125x80xi32, #tpu.memory_space<vmem>> -> memref<1x80xi32, #tpu.memory_space<vmem>>
        %dma_wait3A_161 = tpu.memref_squeeze %dma_wait3A_160 : memref<1x80xi32, #tpu.memory_space<vmem>> -> memref<80xi32, #tpu.memory_space<vmem>>
        %dma_wait3A_162 = arith.constant 0 : i32
        %dma_wait3A_163 = arith.constant 0 : i32
        %dma_wait3A_164 = tpu.memref_slice %arg2[%dma_wait3A_162, %dma_wait3A_163] : memref<10000x128xf32, #tpu.memory_space<hbm>> -> memref<10000x128xf32, #tpu.memory_space<hbm>>
        tpu.wait_indirect_dma semaphore(%arg12 : memref<!tpu.dma_semaphore, #tpu.memory_space<semaphore_mem>>) src(%dma_wait3A_164 : memref<10000x128xf32, #tpu.memory_space<hbm>>) dst(%arg6 : memref<80x128xf32, #tpu.memory_space<vmem>>)
        %add3A_165 = arith.addi %mul3A_2, %add3A_79 : i32
        %mul3A_166 = arith.constant 80 : i32
        %mul3A_167 = arith.muli %add3A_165, %mul3A_166 : i32
        %dma_start3A_168 = arith.constant 0 : i32
        %dma_start3A_169 = tpu.memref_slice %arg4[%mul3A_167, %dma_start3A_168] : memref<320000x128xf32, #tpu.memory_space<hbm>> -> memref<80x128xf32, #tpu.memory_space<hbm>>
        %dma_start3A_170 = arith.constant 0 : i32
        %dma_start3A_171 = tpu.memref_slice %arg4[%mul3A_167, %dma_start3A_170] : memref<320000x128xf32, #tpu.memory_space<hbm>> -> memref<80x128xf32, #tpu.memory_space<hbm>>
        tpu.enqueue_dma source(%arg6 : memref<80x128xf32, #tpu.memory_space<vmem>>) target(%dma_start3A_171 : memref<80x128xf32, #tpu.memory_space<hbm>>) target_semaphore(%arg18 : memref<!tpu.dma_semaphore, #tpu.memory_space<semaphore_mem>>)
      } else {
      }
      %add3A_82 = arith.constant 3 : i32
      %add3A_83 = arith.addi %add3A_79, %add3A_82 : i32
      %lt3A_84 = arith.constant 125 : i32
      %lt3A_85 = arith.cmpi slt, %add3A_83, %lt3A_84 : i32
      %convert_element_type3A_86 = arith.extui %lt3A_85 : i1 to i32
      %cond3A_87 = arith.constant 0 : i32
      %cond3A_88 = arith.cmpi ne, %convert_element_type3A_86, %cond3A_87 : i32
      scf.if %cond3A_88 {
        %ge3A = arith.constant 3 : i32
        %ge3A_159 = arith.cmpi sge, %add3A_79, %ge3A : i32
        %convert_element_type3A_160 = arith.extui %ge3A_159 : i1 to i32
        %cond3A_161 = arith.constant 0 : i32
        %cond3A_162 = arith.cmpi ne, %convert_element_type3A_160, %cond3A_161 : i32
        scf.if %cond3A_162 {
          %add3A_171 = arith.constant 3 : i32
          %add3A_172 = arith.addi %add3A_79, %add3A_171 : i32
          %sub3A = arith.constant 6 : i32
          %sub3A_173 = arith.subi %add3A_172, %sub3A : i32
          %add3A_174 = arith.addi %mul3A_2, %sub3A_173 : i32
          %mul3A_175 = arith.constant 80 : i32
          %mul3A_176 = arith.muli %add3A_174, %mul3A_175 : i32
          %dma_wait3A_177 = arith.constant 0 : i32
          %dma_wait3A_178 = tpu.memref_slice %arg4[%mul3A_176, %dma_wait3A_177] : memref<320000x128xf32, #tpu.memory_space<hbm>> -> memref<80x128xf32, #tpu.memory_space<hbm>>
          %dma_wait3A_179 = arith.constant 0 : i32
          %dma_wait3A_180 = tpu.memref_slice %arg4[%mul3A_176, %dma_wait3A_179] : memref<320000x128xf32, #tpu.memory_space<hbm>> -> memref<80x128xf32, #tpu.memory_space<hbm>>
          tpu.wait_dma2 semaphore(%arg21 : memref<!tpu.dma_semaphore, #tpu.memory_space<semaphore_mem>>) src(%arg9 : memref<80x128xf32, #tpu.memory_space<vmem>>) dst(%dma_wait3A_180 : memref<80x128xf32, #tpu.memory_space<hbm>>)
        } else {
        }
        %add3A_163 = arith.constant 3 : i32
        %add3A_164 = arith.addi %add3A_79, %add3A_163 : i32
        %dma_start3A_165 = arith.constant 0 : i32
        %dma_start3A_166 = tpu.memref_slice %arg5[%add3A_164, %dma_start3A_165] : memref<125x80xi32, #tpu.memory_space<vmem>> -> memref<1x80xi32, #tpu.memory_space<vmem>>
        %dma_start3A_167 = tpu.memref_squeeze %dma_start3A_166 : memref<1x80xi32, #tpu.memory_space<vmem>> -> memref<80xi32, #tpu.memory_space<vmem>>
        %dma_start3A_168 = arith.constant 0 : i32
        %dma_start3A_169 = arith.constant 0 : i32
        %dma_start3A_170 = tpu.memref_slice %arg2[%dma_start3A_168, %dma_start3A_169] : memref<10000x128xf32, #tpu.memory_space<hbm>> -> memref<10000x128xf32, #tpu.memory_space<hbm>>
        tpu.enqueue_indirect_dma source(%dma_start3A_170 : memref<10000x128xf32, #tpu.memory_space<hbm>>) target(%arg9 : memref<80x128xf32, #tpu.memory_space<vmem>>) offsets(%dma_start3A_167 : memref<80xi32, #tpu.memory_space<vmem>>) semaphore(%arg15 : memref<!tpu.dma_semaphore, #tpu.memory_space<semaphore_mem>>)
      } else {
      }
      %add3A_89 = arith.constant 1 : i32
      %add3A_90 = arith.addi %mul3A_77, %add3A_89 : i32
      %lt3A_91 = arith.constant 125 : i32
      %lt3A_92 = arith.cmpi slt, %add3A_90, %lt3A_91 : i32
      %convert_element_type3A_93 = arith.extui %lt3A_92 : i1 to i32
      %cond3A_94 = arith.constant 0 : i32
      %cond3A_95 = arith.cmpi ne, %convert_element_type3A_93, %cond3A_94 : i32
      scf.if %cond3A_95 {
        %dma_wait3A_159 = arith.constant 0 : i32
        %dma_wait3A_160 = tpu.memref_slice %arg5[%add3A_90, %dma_wait3A_159] : memref<125x80xi32, #tpu.memory_space<vmem>> -> memref<1x80xi32, #tpu.memory_space<vmem>>
        %dma_wait3A_161 = tpu.memref_squeeze %dma_wait3A_160 : memref<1x80xi32, #tpu.memory_space<vmem>> -> memref<80xi32, #tpu.memory_space<vmem>>
        %dma_wait3A_162 = arith.constant 0 : i32
        %dma_wait3A_163 = arith.constant 0 : i32
        %dma_wait3A_164 = tpu.memref_slice %arg2[%dma_wait3A_162, %dma_wait3A_163] : memref<10000x128xf32, #tpu.memory_space<hbm>> -> memref<10000x128xf32, #tpu.memory_space<hbm>>
        tpu.wait_indirect_dma semaphore(%arg13 : memref<!tpu.dma_semaphore, #tpu.memory_space<semaphore_mem>>) src(%dma_wait3A_164 : memref<10000x128xf32, #tpu.memory_space<hbm>>) dst(%arg7 : memref<80x128xf32, #tpu.memory_space<vmem>>)
        %add3A_165 = arith.addi %mul3A_2, %add3A_90 : i32
        %mul3A_166 = arith.constant 80 : i32
        %mul3A_167 = arith.muli %add3A_165, %mul3A_166 : i32
        %dma_start3A_168 = arith.constant 0 : i32
        %dma_start3A_169 = tpu.memref_slice %arg4[%mul3A_167, %dma_start3A_168] : memref<320000x128xf32, #tpu.memory_space<hbm>> -> memref<80x128xf32, #tpu.memory_space<hbm>>
        %dma_start3A_170 = arith.constant 0 : i32
        %dma_start3A_171 = tpu.memref_slice %arg4[%mul3A_167, %dma_start3A_170] : memref<320000x128xf32, #tpu.memory_space<hbm>> -> memref<80x128xf32, #tpu.memory_space<hbm>>
        tpu.enqueue_dma source(%arg7 : memref<80x128xf32, #tpu.memory_space<vmem>>) target(%dma_start3A_171 : memref<80x128xf32, #tpu.memory_space<hbm>>) target_semaphore(%arg19 : memref<!tpu.dma_semaphore, #tpu.memory_space<semaphore_mem>>)
      } else {
      }
      %add3A_96 = arith.constant 3 : i32
      %add3A_97 = arith.addi %add3A_90, %add3A_96 : i32
      %lt3A_98 = arith.constant 125 : i32
      %lt3A_99 = arith.cmpi slt, %add3A_97, %lt3A_98 : i32
      %convert_element_type3A_100 = arith.extui %lt3A_99 : i1 to i32
      %cond3A_101 = arith.constant 0 : i32
      %cond3A_102 = arith.cmpi ne, %convert_element_type3A_100, %cond3A_101 : i32
      scf.if %cond3A_102 {
        %ge3A = arith.constant 3 : i32
        %ge3A_159 = arith.cmpi sge, %add3A_90, %ge3A : i32
        %convert_element_type3A_160 = arith.extui %ge3A_159 : i1 to i32
        %cond3A_161 = arith.constant 0 : i32
        %cond3A_162 = arith.cmpi ne, %convert_element_type3A_160, %cond3A_161 : i32
        scf.if %cond3A_162 {
          %add3A_171 = arith.constant 3 : i32
          %add3A_172 = arith.addi %add3A_90, %add3A_171 : i32
          %sub3A = arith.constant 6 : i32
          %sub3A_173 = arith.subi %add3A_172, %sub3A : i32
          %add3A_174 = arith.addi %mul3A_2, %sub3A_173 : i32
          %mul3A_175 = arith.constant 80 : i32
          %mul3A_176 = arith.muli %add3A_174, %mul3A_175 : i32
          %dma_wait3A_177 = arith.constant 0 : i32
          %dma_wait3A_178 = tpu.memref_slice %arg4[%mul3A_176, %dma_wait3A_177] : memref<320000x128xf32, #tpu.memory_space<hbm>> -> memref<80x128xf32, #tpu.memory_space<hbm>>
          %dma_wait3A_179 = arith.constant 0 : i32
          %dma_wait3A_180 = tpu.memref_slice %arg4[%mul3A_176, %dma_wait3A_179] : memref<320000x128xf32, #tpu.memory_space<hbm>> -> memref<80x128xf32, #tpu.memory_space<hbm>>
          tpu.wait_dma2 semaphore(%arg22 : memref<!tpu.dma_semaphore, #tpu.memory_space<semaphore_mem>>) src(%arg10 : memref<80x128xf32, #tpu.memory_space<vmem>>) dst(%dma_wait3A_180 : memref<80x128xf32, #tpu.memory_space<hbm>>)
        } else {
        }
        %add3A_163 = arith.constant 3 : i32
        %add3A_164 = arith.addi %add3A_90, %add3A_163 : i32
        %dma_start3A_165 = arith.constant 0 : i32
        %dma_start3A_166 = tpu.memref_slice %arg5[%add3A_164, %dma_start3A_165] : memref<125x80xi32, #tpu.memory_space<vmem>> -> memref<1x80xi32, #tpu.memory_space<vmem>>
        %dma_start3A_167 = tpu.memref_squeeze %dma_start3A_166 : memref<1x80xi32, #tpu.memory_space<vmem>> -> memref<80xi32, #tpu.memory_space<vmem>>
        %dma_start3A_168 = arith.constant 0 : i32
        %dma_start3A_169 = arith.constant 0 : i32
        %dma_start3A_170 = tpu.memref_slice %arg2[%dma_start3A_168, %dma_start3A_169] : memref<10000x128xf32, #tpu.memory_space<hbm>> -> memref<10000x128xf32, #tpu.memory_space<hbm>>
        tpu.enqueue_indirect_dma source(%dma_start3A_170 : memref<10000x128xf32, #tpu.memory_space<hbm>>) target(%arg10 : memref<80x128xf32, #tpu.memory_space<vmem>>) offsets(%dma_start3A_167 : memref<80xi32, #tpu.memory_space<vmem>>) semaphore(%arg16 : memref<!tpu.dma_semaphore, #tpu.memory_space<semaphore_mem>>)
      } else {
      }
      %add3A_103 = arith.constant 2 : i32
      %add3A_104 = arith.addi %mul3A_77, %add3A_103 : i32
      %lt3A_105 = arith.constant 125 : i32
      %lt3A_106 = arith.cmpi slt, %add3A_104, %lt3A_105 : i32
      %convert_element_type3A_107 = arith.extui %lt3A_106 : i1 to i32
      %cond3A_108 = arith.constant 0 : i32
      %cond3A_109 = arith.cmpi ne, %convert_element_type3A_107, %cond3A_108 : i32
      scf.if %cond3A_109 {
        %dma_wait3A_159 = arith.constant 0 : i32
        %dma_wait3A_160 = tpu.memref_slice %arg5[%add3A_104, %dma_wait3A_159] : memref<125x80xi32, #tpu.memory_space<vmem>> -> memref<1x80xi32, #tpu.memory_space<vmem>>
        %dma_wait3A_161 = tpu.memref_squeeze %dma_wait3A_160 : memref<1x80xi32, #tpu.memory_space<vmem>> -> memref<80xi32, #tpu.memory_space<vmem>>
        %dma_wait3A_162 = arith.constant 0 : i32
        %dma_wait3A_163 = arith.constant 0 : i32
        %dma_wait3A_164 = tpu.memref_slice %arg2[%dma_wait3A_162, %dma_wait3A_163] : memref<10000x128xf32, #tpu.memory_space<hbm>> -> memref<10000x128xf32, #tpu.memory_space<hbm>>
        tpu.wait_indirect_dma semaphore(%arg14 : memref<!tpu.dma_semaphore, #tpu.memory_space<semaphore_mem>>) src(%dma_wait3A_164 : memref<10000x128xf32, #tpu.memory_space<hbm>>) dst(%arg8 : memref<80x128xf32, #tpu.memory_space<vmem>>)
        %add3A_165 = arith.addi %mul3A_2, %add3A_104 : i32
        %mul3A_166 = arith.constant 80 : i32
        %mul3A_167 = arith.muli %add3A_165, %mul3A_166 : i32
        %dma_start3A_168 = arith.constant 0 : i32
        %dma_start3A_169 = tpu.memref_slice %arg4[%mul3A_167, %dma_start3A_168] : memref<320000x128xf32, #tpu.memory_space<hbm>> -> memref<80x128xf32, #tpu.memory_space<hbm>>
        %dma_start3A_170 = arith.constant 0 : i32
        %dma_start3A_171 = tpu.memref_slice %arg4[%mul3A_167, %dma_start3A_170] : memref<320000x128xf32, #tpu.memory_space<hbm>> -> memref<80x128xf32, #tpu.memory_space<hbm>>
        tpu.enqueue_dma source(%arg8 : memref<80x128xf32, #tpu.memory_space<vmem>>) target(%dma_start3A_171 : memref<80x128xf32, #tpu.memory_space<hbm>>) target_semaphore(%arg20 : memref<!tpu.dma_semaphore, #tpu.memory_space<semaphore_mem>>)
      } else {
      }
      %add3A_110 = arith.constant 3 : i32
      %add3A_111 = arith.addi %add3A_104, %add3A_110 : i32
      %lt3A_112 = arith.constant 125 : i32
      %lt3A_113 = arith.cmpi slt, %add3A_111, %lt3A_112 : i32
      %convert_element_type3A_114 = arith.extui %lt3A_113 : i1 to i32
      %cond3A_115 = arith.constant 0 : i32
      %cond3A_116 = arith.cmpi ne, %convert_element_type3A_114, %cond3A_115 : i32
      scf.if %cond3A_116 {
        %ge3A = arith.constant 3 : i32
        %ge3A_159 = arith.cmpi sge, %add3A_104, %ge3A : i32
        %convert_element_type3A_160 = arith.extui %ge3A_159 : i1 to i32
        %cond3A_161 = arith.constant 0 : i32
        %cond3A_162 = arith.cmpi ne, %convert_element_type3A_160, %cond3A_161 : i32
        scf.if %cond3A_162 {
          %add3A_171 = arith.constant 3 : i32
          %add3A_172 = arith.addi %add3A_104, %add3A_171 : i32
          %sub3A = arith.constant 6 : i32
          %sub3A_173 = arith.subi %add3A_172, %sub3A : i32
          %add3A_174 = arith.addi %mul3A_2, %sub3A_173 : i32
          %mul3A_175 = arith.constant 80 : i32
          %mul3A_176 = arith.muli %add3A_174, %mul3A_175 : i32
          %dma_wait3A_177 = arith.constant 0 : i32
          %dma_wait3A_178 = tpu.memref_slice %arg4[%mul3A_176, %dma_wait3A_177] : memref<320000x128xf32, #tpu.memory_space<hbm>> -> memref<80x128xf32, #tpu.memory_space<hbm>>
          %dma_wait3A_179 = arith.constant 0 : i32
          %dma_wait3A_180 = tpu.memref_slice %arg4[%mul3A_176, %dma_wait3A_179] : memref<320000x128xf32, #tpu.memory_space<hbm>> -> memref<80x128xf32, #tpu.memory_space<hbm>>
          tpu.wait_dma2 semaphore(%arg23 : memref<!tpu.dma_semaphore, #tpu.memory_space<semaphore_mem>>) src(%arg11 : memref<80x128xf32, #tpu.memory_space<vmem>>) dst(%dma_wait3A_180 : memref<80x128xf32, #tpu.memory_space<hbm>>)
        } else {
        }
        %add3A_163 = arith.constant 3 : i32
        %add3A_164 = arith.addi %add3A_104, %add3A_163 : i32
        %dma_start3A_165 = arith.constant 0 : i32
        %dma_start3A_166 = tpu.memref_slice %arg5[%add3A_164, %dma_start3A_165] : memref<125x80xi32, #tpu.memory_space<vmem>> -> memref<1x80xi32, #tpu.memory_space<vmem>>
        %dma_start3A_167 = tpu.memref_squeeze %dma_start3A_166 : memref<1x80xi32, #tpu.memory_space<vmem>> -> memref<80xi32, #tpu.memory_space<vmem>>
        %dma_start3A_168 = arith.constant 0 : i32
        %dma_start3A_169 = arith.constant 0 : i32
        %dma_start3A_170 = tpu.memref_slice %arg2[%dma_start3A_168, %dma_start3A_169] : memref<10000x128xf32, #tpu.memory_space<hbm>> -> memref<10000x128xf32, #tpu.memory_space<hbm>>
        tpu.enqueue_indirect_dma source(%dma_start3A_170 : memref<10000x128xf32, #tpu.memory_space<hbm>>) target(%arg11 : memref<80x128xf32, #tpu.memory_space<vmem>>) offsets(%dma_start3A_167 : memref<80xi32, #tpu.memory_space<vmem>>) semaphore(%arg17 : memref<!tpu.dma_semaphore, #tpu.memory_space<semaphore_mem>>)
      } else {
      }
      %add3A_117 = arith.constant 3 : i32
      %add3A_118 = arith.addi %mul3A_77, %add3A_117 : i32
      %lt3A_119 = arith.constant 125 : i32
      %lt3A_120 = arith.cmpi slt, %add3A_118, %lt3A_119 : i32
      %convert_element_type3A_121 = arith.extui %lt3A_120 : i1 to i32
      %cond3A_122 = arith.constant 0 : i32
      %cond3A_123 = arith.cmpi ne, %convert_element_type3A_121, %cond3A_122 : i32
      scf.if %cond3A_123 {
        %dma_wait3A_159 = arith.constant 0 : i32
        %dma_wait3A_160 = tpu.memref_slice %arg5[%add3A_118, %dma_wait3A_159] : memref<125x80xi32, #tpu.memory_space<vmem>> -> memref<1x80xi32, #tpu.memory_space<vmem>>
        %dma_wait3A_161 = tpu.memref_squeeze %dma_wait3A_160 : memref<1x80xi32, #tpu.memory_space<vmem>> -> memref<80xi32, #tpu.memory_space<vmem>>
        %dma_wait3A_162 = arith.constant 0 : i32
        %dma_wait3A_163 = arith.constant 0 : i32
        %dma_wait3A_164 = tpu.memref_slice %arg2[%dma_wait3A_162, %dma_wait3A_163] : memref<10000x128xf32, #tpu.memory_space<hbm>> -> memref<10000x128xf32, #tpu.memory_space<hbm>>
        tpu.wait_indirect_dma semaphore(%arg15 : memref<!tpu.dma_semaphore, #tpu.memory_space<semaphore_mem>>) src(%dma_wait3A_164 : memref<10000x128xf32, #tpu.memory_space<hbm>>) dst(%arg9 : memref<80x128xf32, #tpu.memory_space<vmem>>)
        %add3A_165 = arith.addi %mul3A_2, %add3A_118 : i32
        %mul3A_166 = arith.constant 80 : i32
        %mul3A_167 = arith.muli %add3A_165, %mul3A_166 : i32
        %dma_start3A_168 = arith.constant 0 : i32
        %dma_start3A_169 = tpu.memref_slice %arg4[%mul3A_167, %dma_start3A_168] : memref<320000x128xf32, #tpu.memory_space<hbm>> -> memref<80x128xf32, #tpu.memory_space<hbm>>
        %dma_start3A_170 = arith.constant 0 : i32
        %dma_start3A_171 = tpu.memref_slice %arg4[%mul3A_167, %dma_start3A_170] : memref<320000x128xf32, #tpu.memory_space<hbm>> -> memref<80x128xf32, #tpu.memory_space<hbm>>
        tpu.enqueue_dma source(%arg9 : memref<80x128xf32, #tpu.memory_space<vmem>>) target(%dma_start3A_171 : memref<80x128xf32, #tpu.memory_space<hbm>>) target_semaphore(%arg21 : memref<!tpu.dma_semaphore, #tpu.memory_space<semaphore_mem>>)
      } else {
      }
      %add3A_124 = arith.constant 3 : i32
      %add3A_125 = arith.addi %add3A_118, %add3A_124 : i32
      %lt3A_126 = arith.constant 125 : i32
      %lt3A_127 = arith.cmpi slt, %add3A_125, %lt3A_126 : i32
      %convert_element_type3A_128 = arith.extui %lt3A_127 : i1 to i32
      %cond3A_129 = arith.constant 0 : i32
      %cond3A_130 = arith.cmpi ne, %convert_element_type3A_128, %cond3A_129 : i32
      scf.if %cond3A_130 {
        %ge3A = arith.constant 3 : i32
        %ge3A_159 = arith.cmpi sge, %add3A_118, %ge3A : i32
        %convert_element_type3A_160 = arith.extui %ge3A_159 : i1 to i32
        %cond3A_161 = arith.constant 0 : i32
        %cond3A_162 = arith.cmpi ne, %convert_element_type3A_160, %cond3A_161 : i32
        scf.if %cond3A_162 {
          %add3A_171 = arith.constant 3 : i32
          %add3A_172 = arith.addi %add3A_118, %add3A_171 : i32
          %sub3A = arith.constant 6 : i32
          %sub3A_173 = arith.subi %add3A_172, %sub3A : i32
          %add3A_174 = arith.addi %mul3A_2, %sub3A_173 : i32
          %mul3A_175 = arith.constant 80 : i32
          %mul3A_176 = arith.muli %add3A_174, %mul3A_175 : i32
          %dma_wait3A_177 = arith.constant 0 : i32
          %dma_wait3A_178 = tpu.memref_slice %arg4[%mul3A_176, %dma_wait3A_177] : memref<320000x128xf32, #tpu.memory_space<hbm>> -> memref<80x128xf32, #tpu.memory_space<hbm>>
          %dma_wait3A_179 = arith.constant 0 : i32
          %dma_wait3A_180 = tpu.memref_slice %arg4[%mul3A_176, %dma_wait3A_179] : memref<320000x128xf32, #tpu.memory_space<hbm>> -> memref<80x128xf32, #tpu.memory_space<hbm>>
          tpu.wait_dma2 semaphore(%arg18 : memref<!tpu.dma_semaphore, #tpu.memory_space<semaphore_mem>>) src(%arg6 : memref<80x128xf32, #tpu.memory_space<vmem>>) dst(%dma_wait3A_180 : memref<80x128xf32, #tpu.memory_space<hbm>>)
        } else {
        }
        %add3A_163 = arith.constant 3 : i32
        %add3A_164 = arith.addi %add3A_118, %add3A_163 : i32
        %dma_start3A_165 = arith.constant 0 : i32
        %dma_start3A_166 = tpu.memref_slice %arg5[%add3A_164, %dma_start3A_165] : memref<125x80xi32, #tpu.memory_space<vmem>> -> memref<1x80xi32, #tpu.memory_space<vmem>>
        %dma_start3A_167 = tpu.memref_squeeze %dma_start3A_166 : memref<1x80xi32, #tpu.memory_space<vmem>> -> memref<80xi32, #tpu.memory_space<vmem>>
        %dma_start3A_168 = arith.constant 0 : i32
        %dma_start3A_169 = arith.constant 0 : i32
        %dma_start3A_170 = tpu.memref_slice %arg2[%dma_start3A_168, %dma_start3A_169] : memref<10000x128xf32, #tpu.memory_space<hbm>> -> memref<10000x128xf32, #tpu.memory_space<hbm>>
        tpu.enqueue_indirect_dma source(%dma_start3A_170 : memref<10000x128xf32, #tpu.memory_space<hbm>>) target(%arg6 : memref<80x128xf32, #tpu.memory_space<vmem>>) offsets(%dma_start3A_167 : memref<80xi32, #tpu.memory_space<vmem>>) semaphore(%arg12 : memref<!tpu.dma_semaphore, #tpu.memory_space<semaphore_mem>>)
      } else {
      }
      %add3A_131 = arith.constant 4 : i32
      %add3A_132 = arith.addi %mul3A_77, %add3A_131 : i32
      %lt3A_133 = arith.constant 125 : i32
      %lt3A_134 = arith.cmpi slt, %add3A_132, %lt3A_133 : i32
      %convert_element_type3A_135 = arith.extui %lt3A_134 : i1 to i32
      %cond3A_136 = arith.constant 0 : i32
      %cond3A_137 = arith.cmpi ne, %convert_element_type3A_135, %cond3A_136 : i32
      scf.if %cond3A_137 {
        %dma_wait3A_159 = arith.constant 0 : i32
        %dma_wait3A_160 = tpu.memref_slice %arg5[%add3A_132, %dma_wait3A_159] : memref<125x80xi32, #tpu.memory_space<vmem>> -> memref<1x80xi32, #tpu.memory_space<vmem>>
        %dma_wait3A_161 = tpu.memref_squeeze %dma_wait3A_160 : memref<1x80xi32, #tpu.memory_space<vmem>> -> memref<80xi32, #tpu.memory_space<vmem>>
        %dma_wait3A_162 = arith.constant 0 : i32
        %dma_wait3A_163 = arith.constant 0 : i32
        %dma_wait3A_164 = tpu.memref_slice %arg2[%dma_wait3A_162, %dma_wait3A_163] : memref<10000x128xf32, #tpu.memory_space<hbm>> -> memref<10000x128xf32, #tpu.memory_space<hbm>>
        tpu.wait_indirect_dma semaphore(%arg16 : memref<!tpu.dma_semaphore, #tpu.memory_space<semaphore_mem>>) src(%dma_wait3A_164 : memref<10000x128xf32, #tpu.memory_space<hbm>>) dst(%arg10 : memref<80x128xf32, #tpu.memory_space<vmem>>)
        %add3A_165 = arith.addi %mul3A_2, %add3A_132 : i32
        %mul3A_166 = arith.constant 80 : i32
        %mul3A_167 = arith.muli %add3A_165, %mul3A_166 : i32
        %dma_start3A_168 = arith.constant 0 : i32
        %dma_start3A_169 = tpu.memref_slice %arg4[%mul3A_167, %dma_start3A_168] : memref<320000x128xf32, #tpu.memory_space<hbm>> -> memref<80x128xf32, #tpu.memory_space<hbm>>
        %dma_start3A_170 = arith.constant 0 : i32
        %dma_start3A_171 = tpu.memref_slice %arg4[%mul3A_167, %dma_start3A_170] : memref<320000x128xf32, #tpu.memory_space<hbm>> -> memref<80x128xf32, #tpu.memory_space<hbm>>
        tpu.enqueue_dma source(%arg10 : memref<80x128xf32, #tpu.memory_space<vmem>>) target(%dma_start3A_171 : memref<80x128xf32, #tpu.memory_space<hbm>>) target_semaphore(%arg22 : memref<!tpu.dma_semaphore, #tpu.memory_space<semaphore_mem>>)
      } else {
      }
      %add3A_138 = arith.constant 3 : i32
      %add3A_139 = arith.addi %add3A_132, %add3A_138 : i32
      %lt3A_140 = arith.constant 125 : i32
      %lt3A_141 = arith.cmpi slt, %add3A_139, %lt3A_140 : i32
      %convert_element_type3A_142 = arith.extui %lt3A_141 : i1 to i32
      %cond3A_143 = arith.constant 0 : i32
      %cond3A_144 = arith.cmpi ne, %convert_element_type3A_142, %cond3A_143 : i32
      scf.if %cond3A_144 {
        %ge3A = arith.constant 3 : i32
        %ge3A_159 = arith.cmpi sge, %add3A_132, %ge3A : i32
        %convert_element_type3A_160 = arith.extui %ge3A_159 : i1 to i32
        %cond3A_161 = arith.constant 0 : i32
        %cond3A_162 = arith.cmpi ne, %convert_element_type3A_160, %cond3A_161 : i32
        scf.if %cond3A_162 {
          %add3A_171 = arith.constant 3 : i32
          %add3A_172 = arith.addi %add3A_132, %add3A_171 : i32
          %sub3A = arith.constant 6 : i32
          %sub3A_173 = arith.subi %add3A_172, %sub3A : i32
          %add3A_174 = arith.addi %mul3A_2, %sub3A_173 : i32
          %mul3A_175 = arith.constant 80 : i32
          %mul3A_176 = arith.muli %add3A_174, %mul3A_175 : i32
          %dma_wait3A_177 = arith.constant 0 : i32
          %dma_wait3A_178 = tpu.memref_slice %arg4[%mul3A_176, %dma_wait3A_177] : memref<320000x128xf32, #tpu.memory_space<hbm>> -> memref<80x128xf32, #tpu.memory_space<hbm>>
          %dma_wait3A_179 = arith.constant 0 : i32
          %dma_wait3A_180 = tpu.memref_slice %arg4[%mul3A_176, %dma_wait3A_179] : memref<320000x128xf32, #tpu.memory_space<hbm>> -> memref<80x128xf32, #tpu.memory_space<hbm>>
          tpu.wait_dma2 semaphore(%arg19 : memref<!tpu.dma_semaphore, #tpu.memory_space<semaphore_mem>>) src(%arg7 : memref<80x128xf32, #tpu.memory_space<vmem>>) dst(%dma_wait3A_180 : memref<80x128xf32, #tpu.memory_space<hbm>>)
        } else {
        }
        %add3A_163 = arith.constant 3 : i32
        %add3A_164 = arith.addi %add3A_132, %add3A_163 : i32
        %dma_start3A_165 = arith.constant 0 : i32
        %dma_start3A_166 = tpu.memref_slice %arg5[%add3A_164, %dma_start3A_165] : memref<125x80xi32, #tpu.memory_space<vmem>> -> memref<1x80xi32, #tpu.memory_space<vmem>>
        %dma_start3A_167 = tpu.memref_squeeze %dma_start3A_166 : memref<1x80xi32, #tpu.memory_space<vmem>> -> memref<80xi32, #tpu.memory_space<vmem>>
        %dma_start3A_168 = arith.constant 0 : i32
        %dma_start3A_169 = arith.constant 0 : i32
        %dma_start3A_170 = tpu.memref_slice %arg2[%dma_start3A_168, %dma_start3A_169] : memref<10000x128xf32, #tpu.memory_space<hbm>> -> memref<10000x128xf32, #tpu.memory_space<hbm>>
        tpu.enqueue_indirect_dma source(%dma_start3A_170 : memref<10000x128xf32, #tpu.memory_space<hbm>>) target(%arg7 : memref<80x128xf32, #tpu.memory_space<vmem>>) offsets(%dma_start3A_167 : memref<80xi32, #tpu.memory_space<vmem>>) semaphore(%arg13 : memref<!tpu.dma_semaphore, #tpu.memory_space<semaphore_mem>>)
      } else {
      }
      %add3A_145 = arith.constant 5 : i32
      %add3A_146 = arith.addi %mul3A_77, %add3A_145 : i32
      %lt3A_147 = arith.constant 125 : i32
      %lt3A_148 = arith.cmpi slt, %add3A_146, %lt3A_147 : i32
      %convert_element_type3A_149 = arith.extui %lt3A_148 : i1 to i32
      %cond3A_150 = arith.constant 0 : i32
      %cond3A_151 = arith.cmpi ne, %convert_element_type3A_149, %cond3A_150 : i32
      scf.if %cond3A_151 {
        %dma_wait3A_159 = arith.constant 0 : i32
        %dma_wait3A_160 = tpu.memref_slice %arg5[%add3A_146, %dma_wait3A_159] : memref<125x80xi32, #tpu.memory_space<vmem>> -> memref<1x80xi32, #tpu.memory_space<vmem>>
        %dma_wait3A_161 = tpu.memref_squeeze %dma_wait3A_160 : memref<1x80xi32, #tpu.memory_space<vmem>> -> memref<80xi32, #tpu.memory_space<vmem>>
        %dma_wait3A_162 = arith.constant 0 : i32
        %dma_wait3A_163 = arith.constant 0 : i32
        %dma_wait3A_164 = tpu.memref_slice %arg2[%dma_wait3A_162, %dma_wait3A_163] : memref<10000x128xf32, #tpu.memory_space<hbm>> -> memref<10000x128xf32, #tpu.memory_space<hbm>>
        tpu.wait_indirect_dma semaphore(%arg17 : memref<!tpu.dma_semaphore, #tpu.memory_space<semaphore_mem>>) src(%dma_wait3A_164 : memref<10000x128xf32, #tpu.memory_space<hbm>>) dst(%arg11 : memref<80x128xf32, #tpu.memory_space<vmem>>)
        %add3A_165 = arith.addi %mul3A_2, %add3A_146 : i32
        %mul3A_166 = arith.constant 80 : i32
        %mul3A_167 = arith.muli %add3A_165, %mul3A_166 : i32
        %dma_start3A_168 = arith.constant 0 : i32
        %dma_start3A_169 = tpu.memref_slice %arg4[%mul3A_167, %dma_start3A_168] : memref<320000x128xf32, #tpu.memory_space<hbm>> -> memref<80x128xf32, #tpu.memory_space<hbm>>
        %dma_start3A_170 = arith.constant 0 : i32
        %dma_start3A_171 = tpu.memref_slice %arg4[%mul3A_167, %dma_start3A_170] : memref<320000x128xf32, #tpu.memory_space<hbm>> -> memref<80x128xf32, #tpu.memory_space<hbm>>
        tpu.enqueue_dma source(%arg11 : memref<80x128xf32, #tpu.memory_space<vmem>>) target(%dma_start3A_171 : memref<80x128xf32, #tpu.memory_space<hbm>>) target_semaphore(%arg23 : memref<!tpu.dma_semaphore, #tpu.memory_space<semaphore_mem>>)
      } else {
      }
      %add3A_152 = arith.constant 3 : i32
      %add3A_153 = arith.addi %add3A_146, %add3A_152 : i32
      %lt3A_154 = arith.constant 125 : i32
      %lt3A_155 = arith.cmpi slt, %add3A_153, %lt3A_154 : i32
      %convert_element_type3A_156 = arith.extui %lt3A_155 : i1 to i32
      %cond3A_157 = arith.constant 0 : i32
      %cond3A_158 = arith.cmpi ne, %convert_element_type3A_156, %cond3A_157 : i32
      scf.if %cond3A_158 {
        %ge3A = arith.constant 3 : i32
        %ge3A_159 = arith.cmpi sge, %add3A_146, %ge3A : i32
        %convert_element_type3A_160 = arith.extui %ge3A_159 : i1 to i32
        %cond3A_161 = arith.constant 0 : i32
        %cond3A_162 = arith.cmpi ne, %convert_element_type3A_160, %cond3A_161 : i32
        scf.if %cond3A_162 {
          %add3A_171 = arith.constant 3 : i32
          %add3A_172 = arith.addi %add3A_146, %add3A_171 : i32
          %sub3A = arith.constant 6 : i32
          %sub3A_173 = arith.subi %add3A_172, %sub3A : i32
          %add3A_174 = arith.addi %mul3A_2, %sub3A_173 : i32
          %mul3A_175 = arith.constant 80 : i32
          %mul3A_176 = arith.muli %add3A_174, %mul3A_175 : i32
          %dma_wait3A_177 = arith.constant 0 : i32
          %dma_wait3A_178 = tpu.memref_slice %arg4[%mul3A_176, %dma_wait3A_177] : memref<320000x128xf32, #tpu.memory_space<hbm>> -> memref<80x128xf32, #tpu.memory_space<hbm>>
          %dma_wait3A_179 = arith.constant 0 : i32
          %dma_wait3A_180 = tpu.memref_slice %arg4[%mul3A_176, %dma_wait3A_179] : memref<320000x128xf32, #tpu.memory_space<hbm>> -> memref<80x128xf32, #tpu.memory_space<hbm>>
          tpu.wait_dma2 semaphore(%arg20 : memref<!tpu.dma_semaphore, #tpu.memory_space<semaphore_mem>>) src(%arg8 : memref<80x128xf32, #tpu.memory_space<vmem>>) dst(%dma_wait3A_180 : memref<80x128xf32, #tpu.memory_space<hbm>>)
        } else {
        }
        %add3A_163 = arith.constant 3 : i32
        %add3A_164 = arith.addi %add3A_146, %add3A_163 : i32
        %dma_start3A_165 = arith.constant 0 : i32
        %dma_start3A_166 = tpu.memref_slice %arg5[%add3A_164, %dma_start3A_165] : memref<125x80xi32, #tpu.memory_space<vmem>> -> memref<1x80xi32, #tpu.memory_space<vmem>>
        %dma_start3A_167 = tpu.memref_squeeze %dma_start3A_166 : memref<1x80xi32, #tpu.memory_space<vmem>> -> memref<80xi32, #tpu.memory_space<vmem>>
        %dma_start3A_168 = arith.constant 0 : i32
        %dma_start3A_169 = arith.constant 0 : i32
        %dma_start3A_170 = tpu.memref_slice %arg2[%dma_start3A_168, %dma_start3A_169] : memref<10000x128xf32, #tpu.memory_space<hbm>> -> memref<10000x128xf32, #tpu.memory_space<hbm>>
        tpu.enqueue_indirect_dma source(%dma_start3A_170 : memref<10000x128xf32, #tpu.memory_space<hbm>>) target(%arg8 : memref<80x128xf32, #tpu.memory_space<vmem>>) offsets(%dma_start3A_167 : memref<80xi32, #tpu.memory_space<vmem>>) semaphore(%arg14 : memref<!tpu.dma_semaphore, #tpu.memory_space<semaphore_mem>>)
      } else {
      }
    }
    %scan3A_27 = arith.constant 21 : i32
    %add3A_28 = arith.constant 119 : i32
    %add3A_29 = arith.addi %mul3A_2, %add3A_28 : i32
    %mul3A_30 = arith.constant 80 : i32
    %mul3A_31 = arith.muli %add3A_29, %mul3A_30 : i32
    %dma_wait3A = arith.constant 0 : i32
    %dma_wait3A_32 = tpu.memref_slice %arg4[%mul3A_31, %dma_wait3A] : memref<320000x128xf32, #tpu.memory_space<hbm>> -> memref<80x128xf32, #tpu.memory_space<hbm>>
    %dma_wait3A_33 = arith.constant 0 : i32
    %dma_wait3A_34 = tpu.memref_slice %arg4[%mul3A_31, %dma_wait3A_33] : memref<320000x128xf32, #tpu.memory_space<hbm>> -> memref<80x128xf32, #tpu.memory_space<hbm>>
    tpu.wait_dma2 semaphore(%arg23 : memref<!tpu.dma_semaphore, #tpu.memory_space<semaphore_mem>>) src(%arg11 : memref<80x128xf32, #tpu.memory_space<vmem>>) dst(%dma_wait3A_34 : memref<80x128xf32, #tpu.memory_space<hbm>>)
    %add3A_35 = arith.constant 120 : i32
    %add3A_36 = arith.addi %mul3A_2, %add3A_35 : i32
    %mul3A_37 = arith.constant 80 : i32
    %mul3A_38 = arith.muli %add3A_36, %mul3A_37 : i32
    %dma_wait3A_39 = arith.constant 0 : i32
    %dma_wait3A_40 = tpu.memref_slice %arg4[%mul3A_38, %dma_wait3A_39] : memref<320000x128xf32, #tpu.memory_space<hbm>> -> memref<80x128xf32, #tpu.memory_space<hbm>>
    %dma_wait3A_41 = arith.constant 0 : i32
    %dma_wait3A_42 = tpu.memref_slice %arg4[%mul3A_38, %dma_wait3A_41] : memref<320000x128xf32, #tpu.memory_space<hbm>> -> memref<80x128xf32, #tpu.memory_space<hbm>>
    tpu.wait_dma2 semaphore(%arg18 : memref<!tpu.dma_semaphore, #tpu.memory_space<semaphore_mem>>) src(%arg6 : memref<80x128xf32, #tpu.memory_space<vmem>>) dst(%dma_wait3A_42 : memref<80x128xf32, #tpu.memory_space<hbm>>)
    %add3A_43 = arith.constant 121 : i32
    %add3A_44 = arith.addi %mul3A_2, %add3A_43 : i32
    %mul3A_45 = arith.constant 80 : i32
    %mul3A_46 = arith.muli %add3A_44, %mul3A_45 : i32
    %dma_wait3A_47 = arith.constant 0 : i32
    %dma_wait3A_48 = tpu.memref_slice %arg4[%mul3A_46, %dma_wait3A_47] : memref<320000x128xf32, #tpu.memory_space<hbm>> -> memref<80x128xf32, #tpu.memory_space<hbm>>
    %dma_wait3A_49 = arith.constant 0 : i32
    %dma_wait3A_50 = tpu.memref_slice %arg4[%mul3A_46, %dma_wait3A_49] : memref<320000x128xf32, #tpu.memory_space<hbm>> -> memref<80x128xf32, #tpu.memory_space<hbm>>
    tpu.wait_dma2 semaphore(%arg19 : memref<!tpu.dma_semaphore, #tpu.memory_space<semaphore_mem>>) src(%arg7 : memref<80x128xf32, #tpu.memory_space<vmem>>) dst(%dma_wait3A_50 : memref<80x128xf32, #tpu.memory_space<hbm>>)
    %add3A_51 = arith.constant 122 : i32
    %add3A_52 = arith.addi %mul3A_2, %add3A_51 : i32
    %mul3A_53 = arith.constant 80 : i32
    %mul3A_54 = arith.muli %add3A_52, %mul3A_53 : i32
    %dma_wait3A_55 = arith.constant 0 : i32
    %dma_wait3A_56 = tpu.memref_slice %arg4[%mul3A_54, %dma_wait3A_55] : memref<320000x128xf32, #tpu.memory_space<hbm>> -> memref<80x128xf32, #tpu.memory_space<hbm>>
    %dma_wait3A_57 = arith.constant 0 : i32
    %dma_wait3A_58 = tpu.memref_slice %arg4[%mul3A_54, %dma_wait3A_57] : memref<320000x128xf32, #tpu.memory_space<hbm>> -> memref<80x128xf32, #tpu.memory_space<hbm>>
    tpu.wait_dma2 semaphore(%arg20 : memref<!tpu.dma_semaphore, #tpu.memory_space<semaphore_mem>>) src(%arg8 : memref<80x128xf32, #tpu.memory_space<vmem>>) dst(%dma_wait3A_58 : memref<80x128xf32, #tpu.memory_space<hbm>>)
    %add3A_59 = arith.constant 123 : i32
    %add3A_60 = arith.addi %mul3A_2, %add3A_59 : i32
    %mul3A_61 = arith.constant 80 : i32
    %mul3A_62 = arith.muli %add3A_60, %mul3A_61 : i32
    %dma_wait3A_63 = arith.constant 0 : i32
    %dma_wait3A_64 = tpu.memref_slice %arg4[%mul3A_62, %dma_wait3A_63] : memref<320000x128xf32, #tpu.memory_space<hbm>> -> memref<80x128xf32, #tpu.memory_space<hbm>>
    %dma_wait3A_65 = arith.constant 0 : i32
    %dma_wait3A_66 = tpu.memref_slice %arg4[%mul3A_62, %dma_wait3A_65] : memref<320000x128xf32, #tpu.memory_space<hbm>> -> memref<80x128xf32, #tpu.memory_space<hbm>>
    tpu.wait_dma2 semaphore(%arg21 : memref<!tpu.dma_semaphore, #tpu.memory_space<semaphore_mem>>) src(%arg9 : memref<80x128xf32, #tpu.memory_space<vmem>>) dst(%dma_wait3A_66 : memref<80x128xf32, #tpu.memory_space<hbm>>)
    %add3A_67 = arith.constant 124 : i32
    %add3A_68 = arith.addi %mul3A_2, %add3A_67 : i32
    %mul3A_69 = arith.constant 80 : i32
    %mul3A_70 = arith.muli %add3A_68, %mul3A_69 : i32
    %dma_wait3A_71 = arith.constant 0 : i32
    %dma_wait3A_72 = tpu.memref_slice %arg4[%mul3A_70, %dma_wait3A_71] : memref<320000x128xf32, #tpu.memory_space<hbm>> -> memref<80x128xf32, #tpu.memory_space<hbm>>
    %dma_wait3A_73 = arith.constant 0 : i32
    %dma_wait3A_74 = tpu.memref_slice %arg4[%mul3A_70, %dma_wait3A_73] : memref<320000x128xf32, #tpu.memory_space<hbm>> -> memref<80x128xf32, #tpu.memory_space<hbm>>
    tpu.wait_dma2 semaphore(%arg22 : memref<!tpu.dma_semaphore, #tpu.memory_space<semaphore_mem>>) src(%arg10 : memref<80x128xf32, #tpu.memory_space<vmem>>) dst(%dma_wait3A_74 : memref<80x128xf32, #tpu.memory_space<hbm>>)
    return
  }
}

module attributes {stable_mosaic.version = 14 : i64} {
  func.func @_in2f_body(%arg0: i32, %arg1: memref<2000x128xf32, #tpu.memory_space<vmem>>, %arg2: memref<128x128xf32, #tpu.memory_space<vmem>>, %arg3: memref<2000x128xf32, #tpu.memory_space<vmem>>) attributes {dimension_semantics = [#tpu.dimension_semantics<arbitrary>], iteration_bounds = array<i64: 5>, scalar_prefetch = 0 : i64, scratch_operands = 0 : i64, tpu.core_type = #tpu.core_type<tc>, window_params = [{transform_indices = @transform_0, window_bounds = array<i64: 2000, 128>}, {pipeline_mode = #tpu.pipeline_mode<synchronous>, transform_indices = @transform_1, window_bounds = array<i64: 128, 128>}, {transform_indices = @transform_2, window_bounds = array<i64: 2000, 128>}]} {
    %get3A = arith.constant 0 : index
    %get3A_0 = arith.constant 0 : index
    %get3A_1 = vector.load %arg1[%get3A, %get3A_0] : memref<2000x128xf32, #tpu.memory_space<vmem>>, vector<2000x128xf32>
    %get3A_2 = arith.constant 0 : index
    %get3A_3 = arith.constant 0 : index
    %get3A_4 = vector.load %arg2[%get3A_2, %get3A_3] : memref<128x128xf32, #tpu.memory_space<vmem>>, vector<128x128xf32>
    %dot_general3A = arith.constant dense<0.000000e+00> : vector<2000x128xf32>
    %dot_general3A_5 = tpu.matmul %get3A_1, %get3A_4, %dot_general3A {dimension_numbers = #tpu.dot_dimension_numbers<[1], [0], [0], [1], [0, 0, 1, 1], [], []>, transpose_lhs_hint = false} : vector<2000x128xf32>, vector<128x128xf32>, vector<2000x128xf32> -> vector<2000x128xf32>
    %swap3A = arith.constant 0 : index
    %swap3A_6 = arith.constant 0 : index
    %swap3A_7 = vector.load %arg3[%swap3A, %swap3A_6] : memref<2000x128xf32, #tpu.memory_space<vmem>>, vector<2000x128xf32>
    tpu.vector_store %arg3[%swap3A, %swap3A_6], %dot_general3A_5 {strides = array<i32>} : memref<2000x128xf32, #tpu.memory_space<vmem>>, vector<2000x128xf32>,
    return
  }
  func.func @transform_0(%arg0: i32) -> (i32, i32) {
    %c0_i32 = arith.constant 0 : i32
    %c0_i32_0 = arith.constant 0 : i32
    return %arg0, %c0_i32 : i32, i32
  }
  func.func @transform_1(%arg0: i32) -> (i32, i32) {
    %c0_i32 = arith.constant 0 : i32
    %c0_i32_0 = arith.constant 0 : i32
    %c0_i32_1 = arith.constant 0 : i32
    return %c0_i32, %c0_i32_0 : i32, i32
  }
  func.func @transform_2(%arg0: i32) -> (i32, i32) {
    %c0_i32 = arith.constant 0 : i32
    %c0_i32_0 = arith.constant 0 : i32
    return %arg0, %c0_i32 : i32, i32
  }
}

module attributes {stable_mosaic.version = 14 : i64} {
  func.func @_fused_body(%arg0: i32, %arg1: memref<200x32x25xf32, #tpu.memory_space<vmem>>, %arg2: memref<6400x128xf32, #tpu.memory_space<vmem>>, %arg3: memref<200x32xf32, #tpu.memory_space<vmem>>, %arg4: memref<200x32xf32, #tpu.memory_space<vmem>>, %arg5: memref<25x128xf32, #tpu.memory_space<vmem>>, %arg6: memref<1x128xf32, #tpu.memory_space<vmem>>, %arg7: memref<128x128xf32, #tpu.memory_space<vmem>>, %arg8: memref<1x128xf32, #tpu.memory_space<vmem>>, %arg9: memref<128x128xf32, #tpu.memory_space<vmem>>, %arg10: memref<1x128xf32, #tpu.memory_space<vmem>>, %arg11: memref<128x128xf32, #tpu.memory_space<vmem>>, %arg12: memref<1x128xf32, #tpu.memory_space<vmem>>, %arg13: memref<200x128xf32, #tpu.memory_space<vmem>>) attributes {dimension_semantics = [#tpu.dimension_semantics<arbitrary>], iteration_bounds = array<i64: 50>, scalar_prefetch = 0 : i64, scratch_operands = 0 : i64, tpu.core_type = #tpu.core_type<tc>, window_params = [{transform_indices = @transform_0, window_bounds = array<i64: 200, 32, 25>}, {transform_indices = @transform_1, window_bounds = array<i64: 6400, 128>}, {transform_indices = @transform_2, window_bounds = array<i64: 200, 32>}, {transform_indices = @transform_3, window_bounds = array<i64: 200, 32>}, {pipeline_mode = #tpu.pipeline_mode<synchronous>, transform_indices = @transform_4, window_bounds = array<i64: 25, 128>}, {pipeline_mode = #tpu.pipeline_mode<synchronous>, transform_indices = @transform_5, window_bounds = array<i64: 1, 128>}, {pipeline_mode = #tpu.pipeline_mode<synchronous>, transform_indices = @transform_6, window_bounds = array<i64: 128, 128>}, {pipeline_mode = #tpu.pipeline_mode<synchronous>, transform_indices = @transform_7, window_bounds = array<i64: 1, 128>}, {pipeline_mode = #tpu.pipeline_mode<synchronous>, transform_indices = @transform_8, window_bounds = array<i64: 128, 128>}, {pipeline_mode = #tpu.pipeline_mode<synchronous>, transform_indices = @transform_9, window_bounds = array<i64: 1, 128>}, {pipeline_mode = #tpu.pipeline_mode<synchronous>, transform_indices = @transform_10, window_bounds = array<i64: 128, 128>}, {pipeline_mode = #tpu.pipeline_mode<synchronous>, transform_indices = @transform_11, window_bounds = array<i64: 1, 128>}, {transform_indices = @transform_12, window_bounds = array<i64: 200, 128>}]} {
    %get3A = arith.constant 0 : index
    %get3A_0 = arith.constant 0 : index
    %get3A_1 = arith.constant 0 : index
    %get3A_2 = vector.load %arg1[%get3A, %get3A_0, %get3A_1] : memref<200x32x25xf32, #tpu.memory_space<vmem>>, vector<200x32x25xf32>
    %reshape3A = vector.shape_cast %get3A_2 : vector<200x32x25xf32> to vector<6400x25xf32>
    %get3A_3 = arith.constant 0 : index
    %get3A_4 = arith.constant 0 : index
    %get3A_5 = vector.load %arg5[%get3A_3, %get3A_4] : memref<25x128xf32, #tpu.memory_space<vmem>>, vector<25x128xf32>
    %dot_general3A = arith.constant dense<0.000000e+00> : vector<6400x128xf32>
    %dot_general3A_6 = tpu.matmul %reshape3A, %get3A_5, %dot_general3A {dimension_numbers = #tpu.dot_dimension_numbers<[1], [0], [0], [1], [0, 0, 1, 1], [], []>, transpose_lhs_hint = false} : vector<6400x25xf32>, vector<25x128xf32>, vector<6400x128xf32> -> vector<6400x128xf32>
    %get3A_7 = arith.constant 0 : index
    %get3A_8 = arith.constant 0 : index
    %get3A_9 = vector.load %arg6[%get3A_7, %get3A_8] : memref<1x128xf32, #tpu.memory_space<vmem>>, vector<1x128xf32>
    %add3A = vector.broadcast %get3A_9 : vector<1x128xf32> to vector<6400x128xf32>
    %add3A_10 = arith.addf %dot_general3A_6, %add3A : vector<6400x128xf32>
    %max3A = arith.constant 0.000000e+00 : f32
    %max3A_11 = vector.broadcast %max3A : f32 to vector<6400x128xf32>
    %max3A_12 = arith.maximumf %add3A_10, %max3A_11 : vector<6400x128xf32>
    %abs3A = math.absf %add3A_10 : vector<6400x128xf32>
    %neg3A = arith.constant 0.000000e+00 : f32
    %neg3A_13 = vector.broadcast %neg3A : f32 to vector<6400x128xf32>
    %neg3A_14 = arith.subf %neg3A_13, %abs3A : vector<6400x128xf32>
    %exp3A = math.exp %neg3A_14 : vector<6400x128xf32>
    %add3A_15 = arith.constant 1.000000e+00 : f32
    %add3A_16 = vector.broadcast %add3A_15 : f32 to vector<6400x128xf32>
    %add3A_17 = arith.addf %add3A_16, %exp3A : vector<6400x128xf32>
    %log3A = math.log %add3A_17 : vector<6400x128xf32>
    %add3A_18 = arith.addf %max3A_12, %log3A : vector<6400x128xf32>
    %sub3A = arith.constant 0.693147182 : f32
    %sub3A_19 = vector.broadcast %sub3A : f32 to vector<6400x128xf32>
    %sub3A_20 = arith.subf %add3A_18, %sub3A_19 : vector<6400x128xf32>
    %get3A_21 = arith.constant 0 : index
    %get3A_22 = arith.constant 0 : index
    %get3A_23 = vector.load %arg7[%get3A_21, %get3A_22] : memref<128x128xf32, #tpu.memory_space<vmem>>, vector<128x128xf32>
    %dot_general3A_24 = arith.constant dense<0.000000e+00> : vector<6400x128xf32>
    %dot_general3A_25 = tpu.matmul %sub3A_20, %get3A_23, %dot_general3A_24 {dimension_numbers = #tpu.dot_dimension_numbers<[1], [0], [0], [1], [0, 0, 1, 1], [], []>, transpose_lhs_hint = false} : vector<6400x128xf32>, vector<128x128xf32>, vector<6400x128xf32> -> vector<6400x128xf32>
    %get3A_26 = arith.constant 0 : index
    %get3A_27 = arith.constant 0 : index
    %get3A_28 = vector.load %arg8[%get3A_26, %get3A_27] : memref<1x128xf32, #tpu.memory_space<vmem>>, vector<1x128xf32>
    %add3A_29 = vector.broadcast %get3A_28 : vector<1x128xf32> to vector<6400x128xf32>
    %add3A_30 = arith.addf %dot_general3A_25, %add3A_29 : vector<6400x128xf32>
    %get3A_31 = arith.constant 0 : index
    %get3A_32 = arith.constant 0 : index
    %get3A_33 = vector.load %arg4[%get3A_31, %get3A_32] : memref<200x32xf32, #tpu.memory_space<vmem>>, vector<200x32xf32>
    %get3A_34 = arith.constant 0 : index
    %get3A_35 = arith.constant 0 : index
    %get3A_36 = vector.load %arg3[%get3A_34, %get3A_35] : memref<200x32xf32, #tpu.memory_space<vmem>>, vector<200x32xf32>
    %lt3A = arith.constant 5.000000e+00 : f32
    %lt3A_37 = vector.broadcast %lt3A : f32 to vector<200x32xf32>
    %lt3A_38 = arith.cmpf olt, %get3A_36, %lt3A_37 : vector<200x32xf32>
    %convert_element_type3A = arith.extui %lt3A_38 : vector<200x32xi1> to vector<200x32xi32>
    %convert_element_type3A_39 = arith.sitofp %convert_element_type3A : vector<200x32xi32> to vector<200x32xf32>
    %mul3A = arith.mulf %get3A_33, %convert_element_type3A_39 : vector<200x32xf32>
    %get3A_40 = arith.constant 0 : index
    %get3A_41 = arith.constant 0 : index
    %get3A_42 = vector.load %arg2[%get3A_40, %get3A_41] : memref<6400x128xf32, #tpu.memory_space<vmem>>, vector<6400x128xf32>
    %mul3A_43 = arith.mulf %get3A_42, %add3A_30 : vector<6400x128xf32>
    %reshape3A_44 = vector.shape_cast %mul3A_43 : vector<6400x128xf32> to vector<200x32x128xf32>
    %broadcast_in_dim3A = vector.shape_cast %mul3A : vector<200x32xf32> to vector<200x32x1xf32>
    %mul3A_45 = vector.broadcast %broadcast_in_dim3A : vector<200x32x1xf32> to vector<200x32x128xf32>
    %mul3A_46 = arith.mulf %reshape3A_44, %mul3A_45 : vector<200x32x128xf32>
    %reduce_sum3A = arith.constant dense<0.000000e+00> : vector<200x128xf32>
    %reduce_sum3A_47 = vector.multi_reduction <add>, %mul3A_46, %reduce_sum3A [1] : vector<200x32x128xf32> to vector<200x128xf32>
    %get3A_48 = arith.constant 0 : index
    %get3A_49 = arith.constant 0 : index
    %get3A_50 = vector.load %arg9[%get3A_48, %get3A_49] : memref<128x128xf32, #tpu.memory_space<vmem>>, vector<128x128xf32>
    %dot_general3A_51 = arith.constant dense<0.000000e+00> : vector<200x128xf32>
    %dot_general3A_52 = tpu.matmul %reduce_sum3A_47, %get3A_50, %dot_general3A_51 {dimension_numbers = #tpu.dot_dimension_numbers<[1], [0], [0], [1], [0, 0, 1, 1], [], []>, transpose_lhs_hint = false} : vector<200x128xf32>, vector<128x128xf32>, vector<200x128xf32> -> vector<200x128xf32>
    %get3A_53 = arith.constant 0 : index
    %get3A_54 = arith.constant 0 : index
    %get3A_55 = vector.load %arg10[%get3A_53, %get3A_54] : memref<1x128xf32, #tpu.memory_space<vmem>>, vector<1x128xf32>
    %add3A_56 = vector.broadcast %get3A_55 : vector<1x128xf32> to vector<200x128xf32>
    %add3A_57 = arith.addf %dot_general3A_52, %add3A_56 : vector<200x128xf32>
    %max3A_58 = arith.constant 0.000000e+00 : f32
    %max3A_59 = vector.broadcast %max3A_58 : f32 to vector<200x128xf32>
    %max3A_60 = arith.maximumf %add3A_57, %max3A_59 : vector<200x128xf32>
    %abs3A_61 = math.absf %add3A_57 : vector<200x128xf32>
    %neg3A_62 = arith.constant 0.000000e+00 : f32
    %neg3A_63 = vector.broadcast %neg3A_62 : f32 to vector<200x128xf32>
    %neg3A_64 = arith.subf %neg3A_63, %abs3A_61 : vector<200x128xf32>
    %exp3A_65 = math.exp %neg3A_64 : vector<200x128xf32>
    %add3A_66 = arith.constant 1.000000e+00 : f32
    %add3A_67 = vector.broadcast %add3A_66 : f32 to vector<200x128xf32>
    %add3A_68 = arith.addf %add3A_67, %exp3A_65 : vector<200x128xf32>
    %log3A_69 = math.log %add3A_68 : vector<200x128xf32>
    %add3A_70 = arith.addf %max3A_60, %log3A_69 : vector<200x128xf32>
    %sub3A_71 = arith.constant 0.693147182 : f32
    %sub3A_72 = vector.broadcast %sub3A_71 : f32 to vector<200x128xf32>
    %sub3A_73 = arith.subf %add3A_70, %sub3A_72 : vector<200x128xf32>
    %get3A_74 = arith.constant 0 : index
    %get3A_75 = arith.constant 0 : index
    %get3A_76 = vector.load %arg11[%get3A_74, %get3A_75] : memref<128x128xf32, #tpu.memory_space<vmem>>, vector<128x128xf32>
    %dot_general3A_77 = arith.constant dense<0.000000e+00> : vector<200x128xf32>
    %dot_general3A_78 = tpu.matmul %sub3A_73, %get3A_76, %dot_general3A_77 {dimension_numbers = #tpu.dot_dimension_numbers<[1], [0], [0], [1], [0, 0, 1, 1], [], []>, transpose_lhs_hint = false} : vector<200x128xf32>, vector<128x128xf32>, vector<200x128xf32> -> vector<200x128xf32>
    %get3A_79 = arith.constant 0 : index
    %get3A_80 = arith.constant 0 : index
    %get3A_81 = vector.load %arg12[%get3A_79, %get3A_80] : memref<1x128xf32, #tpu.memory_space<vmem>>, vector<1x128xf32>
    %add3A_82 = vector.broadcast %get3A_81 : vector<1x128xf32> to vector<200x128xf32>
    %add3A_83 = arith.addf %dot_general3A_78, %add3A_82 : vector<200x128xf32>
    %swap3A = arith.constant 0 : index
    %swap3A_84 = arith.constant 0 : index
    %swap3A_85 = vector.load %arg13[%swap3A, %swap3A_84] : memref<200x128xf32, #tpu.memory_space<vmem>>, vector<200x128xf32>
    tpu.vector_store %arg13[%swap3A, %swap3A_84], %add3A_83 {strides = array<i32>} : memref<200x128xf32, #tpu.memory_space<vmem>>, vector<200x128xf32>,
    return
  }
  func.func @transform_0(%arg0: i32) -> (i32, i32, i32) {
    %add3A = arith.constant 0 : i32
    %add3A_0 = arith.addi %add3A, %arg0 : i32
    %c0_i32 = arith.constant 0 : i32
    %c0_i32_1 = arith.constant 0 : i32
    %c0_i32_2 = arith.constant 0 : i32
    return %add3A_0, %c0_i32, %c0_i32_1 : i32, i32, i32
  }
  func.func @transform_1(%arg0: i32) -> (i32, i32) {
    %c0_i32 = arith.constant 0 : i32
    %c0_i32_0 = arith.constant 0 : i32
    return %arg0, %c0_i32 : i32, i32
  }
  func.func @transform_2(%arg0: i32) -> (i32, i32) {
    %add3A = arith.constant 0 : i32
    %add3A_0 = arith.addi %add3A, %arg0 : i32
    %c0_i32 = arith.constant 0 : i32
    %c0_i32_1 = arith.constant 0 : i32
    return %add3A_0, %c0_i32 : i32, i32
  }
  func.func @transform_3(%arg0: i32) -> (i32, i32) {
    %add3A = arith.constant 0 : i32
    %add3A_0 = arith.addi %add3A, %arg0 : i32
    %c0_i32 = arith.constant 0 : i32
    %c0_i32_1 = arith.constant 0 : i32
    return %add3A_0, %c0_i32 : i32, i32
  }
  func.func @transform_4(%arg0: i32) -> (i32, i32) {
    %c0_i32 = arith.constant 0 : i32
    %c0_i32_0 = arith.constant 0 : i32
    %c0_i32_1 = arith.constant 0 : i32
    return %c0_i32, %c0_i32_0 : i32, i32
  }
  func.func @transform_5(%arg0: i32) -> (i32, i32) {
    %c0_i32 = arith.constant 0 : i32
    %c0_i32_0 = arith.constant 0 : i32
    %c0_i32_1 = arith.constant 0 : i32
    return %c0_i32, %c0_i32_0 : i32, i32
  }
  func.func @transform_6(%arg0: i32) -> (i32, i32) {
    %c0_i32 = arith.constant 0 : i32
    %c0_i32_0 = arith.constant 0 : i32
    %c0_i32_1 = arith.constant 0 : i32
    return %c0_i32, %c0_i32_0 : i32, i32
  }
  func.func @transform_7(%arg0: i32) -> (i32, i32) {
    %c0_i32 = arith.constant 0 : i32
    %c0_i32_0 = arith.constant 0 : i32
    %c0_i32_1 = arith.constant 0 : i32
    return %c0_i32, %c0_i32_0 : i32, i32
  }
  func.func @transform_8(%arg0: i32) -> (i32, i32) {
    %c0_i32 = arith.constant 0 : i32
    %c0_i32_0 = arith.constant 0 : i32
    %c0_i32_1 = arith.constant 0 : i32
    return %c0_i32, %c0_i32_0 : i32, i32
  }
  func.func @transform_9(%arg0: i32) -> (i32, i32) {
    %c0_i32 = arith.constant 0 : i32
    %c0_i32_0 = arith.constant 0 : i32
    %c0_i32_1 = arith.constant 0 : i32
    return %c0_i32, %c0_i32_0 : i32, i32
  }
  func.func @transform_10(%arg0: i32) -> (i32, i32) {
    %c0_i32 = arith.constant 0 : i32
    %c0_i32_0 = arith.constant 0 : i32
    %c0_i32_1 = arith.constant 0 : i32
    return %c0_i32, %c0_i32_0 : i32, i32
  }
  func.func @transform_11(%arg0: i32) -> (i32, i32) {
    %c0_i32 = arith.constant 0 : i32
    %c0_i32_0 = arith.constant 0 : i32
    %c0_i32_1 = arith.constant 0 : i32
    return %c0_i32, %c0_i32_0 : i32, i32
  }
  func.func @transform_12(%arg0: i32) -> (i32, i32) {
    %c0_i32 = arith.constant 0 : i32
    %c0_i32_0 = arith.constant 0 : i32
    return %arg0, %c0_i32 : i32, i32
  }
}

</mosaic_0001>

<sc_bundles>
// kernel: kernel.5.cloned.1.call-start
scs
__scs_entry_jumppad:
0x0: {  	(pc) =	sbr.rel $0x88, $3  }
0x1: {  	(tag) =	ssettag $0x0;
	lr =	simm.s32 $0x1  }
0x2: {  	[smem:$0x3F93] =	sst lr;
	_ =	strace $0xD0000000  }
0x3: {  	_ = 	snop  }
0x4: {  	_ = 	snop  }
0x5: {  	_ = 	snop  }
0x6: {  	_ = 	snop  }
0x7: {  	_ = 	snop  }
__scs_overlays_trampoline_lowered:
0x8: {  	[smem:$0x3FA2] =	sst s0  }
0x9: {  	[smem:$0x3FA3] =	sst s1  }
0xa: {  	[smem:$0x3FA4] =	sst s2  }
0xb: {  	[smem:$0x3FA5] =	sst s3  }
0xc: {  	[smem:$0x3FA6] =	sst s4  }
0xd: {  	[smem:$0x3FA7] =	sst s5  }
0xe: {  	[smem:$0x3FA8] =	sst s6  }
0xf: {  	[smem:$0x3FA9] =	sst s7  }
0x10: {  	[smem:$0x3FAA] =	sst s8  }
0x11: {  	[smem:$0x3FAB] =	sst s9;
	s0 =	simm.s32 @!p0 $0x0  }
0x12: {  	s1 =	sld [smem:$0x3F91];
	s0 =	simm.s32 @p0 $0x1  }
0x13: {  	[smem:$0x3FAC] =	sst s0;
	s0 =	simm.s32 @!p1 $0x0  }
0x14: {  	s2 =	sld [smem:$0x3F90];
	s0 =	simm.s32 @p1 $0x1  }
0x15: {  	[smem:$0x3FAD] =	sst s0;
	s0 =	simm.s32 @!p2 $0x0  }
0x16: {  	s3 =	sld [smem:$0x3FDB];
	s0 =	simm.s32 @p2 $0x1  }
0x17: {  	s4 =	simm.s32 $0x1BF5;
	[smem:$0x3FAF] =	sst s0  }
0x18: {  	s0 =	sld [smem:$0x3F92];
	_ =	swait.ge [sflag:s4], $0x0  }
0x19: {  	s7 =	sld [smem:$0x3F93]  }
0x1a: {  	s8 =	sadd.s32 $0xFFFFE003, lr  }
0x1b: {  	s9 =	sadd.s32 $0xFFFFFEF7, lr;
	s5 =	simm.s32 $0xFFFFFFFF;
	p2 =	slt.u32 s8, $0xFFFFF086  }
0x1c: {  	p1 =	slt.u32 s9, $0xF7A;
	s5 =	simm.s32 @!p2 $0x0  }
0x1d: {  	s5 =	simm.s32 @p1 $0x1;
	p0 =	seq.s32 s7, s2  }
0x1e: {  	s7 =	smul.u32 @!p0 $0xF7A, s2;
	p2 =	seq.s32 @!p0 s5, $0x0  }
0x1f: {  	s9 =	smul.u32 $0xF7A, s1;
	s8 =	simm.s32 @!p0 $0x1BF5;
	p2 =	por !p2, p0  }
0x20: {  	[sflag:s8] =	ssyncset.s32 @!p0 $0xFFFFF086;
	s6 =	sadd.s32 @!p0 s3, s7;
	s7 =	simm.s32 @!p0 $0x108  }
0x21: {  	s3 =	sadd.s32 s3, s9;
	s6 =	sadd.s32 @!p0 $0x88, s6;
	s7 =	simm.s32 @p2 $0x1082  }
0x22: {  	[simem:s7], [sflag:s8] =	dma.local @!p0 [hbm:s6], $0xF7A  }
0x23: {  	s9 =	sor.u32 $0xD0000000, s2;
	s6 =	simm.s32 $0x108;
	_ =	swait.ge @!p0 [sflag:s8], $0x0  }
0x24: {  	s3 =	sadd.s32 $0x88, s3;
	s6 =	simm.s32 @!p1 $0x1082;
	[sflag:s4] =	ssyncset.s32 $0xFFFFF086  }
0x25: {  	[simem:s6], [sflag:s4] =	dma.local [hbm:s3], $0xF7A  }
0x26: {  	[smem:$0x3F93] =	sst s1;
	(tag) =	ssettag s2;
	_ =	strace s9  }
0x27: {  	s1 =	sld [smem:$0x3FA3]  }
0x28: {  	s2 =	sld [smem:$0x3FA4]  }
0x29: {  	s4 =	sld [smem:$0x3FA6]  }
0x2a: {  	p0 =	seq.s32 s5, $0x0;
	s5 =	sld [smem:$0x3FA7]  }
0x2b: {  	s6 =	sld [smem:$0x3FA8]  }
0x2c: {  	s7 =	sld [smem:$0x3FA9]  }
0x2d: {  	s3 =	simm.s32 $0x108;
	s8 =	sld [smem:$0x3FAA]  }
0x2e: {  	s3 =	simm.s32 @!p0 $0x1082;
	s9 =	sld [smem:$0x3FAB]  }
0x2f: {  	lr =	sadd.s32 s0, s3;
	s0 =	sld [smem:$0x3FA2]  }
0x30: {  	s3 =	sld [smem:$0x3FA5]  }
0x31: {  	[smem:$0x3FAE] =	sst s10  }
0x32: {  	s10 =	sld [smem:$0x3FAC];
	_ =	sdelay $0x3  }
0x33: {  	p0 =	seq.s32 s10, $0x1;
	s10 =	sld [smem:$0x3FAE];
	_ =	sdelay $0x3  }
0x34: {  	[smem:$0x3FAE] =	sst s10  }
0x35: {  	s10 =	sld [smem:$0x3FAD];
	_ =	sdelay $0x3  }
0x36: {  	p1 =	seq.s32 s10, $0x1;
	s10 =	sld [smem:$0x3FAE];
	_ =	sdelay $0x3  }
0x37: {  	[smem:$0x3FAE] =	sst s10  }
0x38: {  	s10 =	sld [smem:$0x3FAF]  }
0x39: {  	_ = 	snop;
	(pc) =	sbr.ind lr, $3  }
0x3a: {  	_ = 	snop  }
0x3b: {  	_ = 	snop  }
0x3c: {  	p2 =	seq.s32 s10, $0x1;
	s10 =	sld [smem:$0x3FAE]  }
0x3d: {  	_ =	shalt  }
0x3e: {  	_ =	shalt  }
0x3f: {  	_ =	shalt  }
0x40: {  	_ =	shalt  }
0x41: {  	_ =	shalt  }
0x42: {  	_ =	shalt  }
0x43: {  	_ =	shalt  }
0x44: {  	_ =	shalt  }
0x45: {  	_ =	shalt  }
0x46: {  	_ =	shalt  }
0x47: {  	_ =	shalt  }
0x48: {  	_ =	shalt  }
0x49: {  	_ =	shalt  }
0x4a: {  	_ =	shalt  }
0x4b: {  	_ =	shalt  }
0x4c: {  	_ =	shalt  }
0x4d: {  	_ =	shalt  }
0x4e: {  	_ =	shalt  }
0x4f: {  	_ =	shalt  }
0x50: {  	_ =	shalt  }
0x51: {  	_ =	shalt  }
0x52: {  	_ =	shalt  }
0x53: {  	_ =	shalt  }
0x54: {  	_ =	shalt  }
0x55: {  	_ =	shalt  }
0x56: {  	_ =	shalt  }
0x57: {  	_ =	shalt  }
0x58: {  	_ =	shalt  }
0x59: {  	_ =	shalt  }
0x5a: {  	_ =	shalt  }
0x5b: {  	_ =	shalt  }
0x5c: {  	_ =	shalt  }
0x5d: {  	_ =	shalt  }
0x5e: {  	_ =	shalt  }
0x5f: {  	_ =	shalt  }
0x60: {  	_ =	shalt  }
0x61: {  	_ =	shalt  }
0x62: {  	_ =	shalt  }
0x63: {  	_ =	shalt  }
0x64: {  	_ =	shalt  }
0x65: {  	_ =	shalt  }
0x66: {  	_ =	shalt  }
0x67: {  	_ =	shalt  }
0x68: {  	_ =	shalt  }
0x69: {  	_ =	shalt  }
0x6a: {  	_ =	shalt  }
0x6b: {  	_ =	shalt  }
0x6c: {  	_ =	shalt  }
0x6d: {  	_ =	shalt  }
0x6e: {  	_ =	shalt  }
0x6f: {  	_ =	shalt  }
0x70: {  	_ =	shalt  }
0x71: {  	_ =	shalt  }
0x72: {  	_ =	shalt  }
0x73: {  	_ =	shalt  }
0x74: {  	_ =	shalt  }
0x75: {  	_ =	shalt  }
0x76: {  	_ =	shalt  }
0x77: {  	_ =	shalt  }
0x78: {  	_ =	shalt  }
0x79: {  	_ =	shalt  }
0x7a: {  	_ =	shalt  }
0x7b: {  	_ =	shalt  }
0x7c: {  	_ =	shalt  }
0x7d: {  	_ =	shalt  }
0x7e: {  	_ =	shalt  }
0x7f: {  	_ =	shalt  }
0x80: {  	_ =	shalt  }
0x81: {  	_ =	shalt  }
0x82: {  	_ =	shalt  }
0x83: {  	_ =	shalt  }
0x84: {  	_ =	shalt  }
0x85: {  	_ =	shalt  }
0x86: {  	_ =	shalt  }
0x87: {  	_ =	shalt  }
.Lfunc_end0:
.L_simem_size_0:
called_computation_lowered:
.L_overlay_start_0:
0x88: {  	s2 =	sld [smem:$0x3FD9]  }
0x89: {  	s3 =	sld [smem:$0x3FFE];
	_ =	sdelay $0x1  }
0x8a: {  	s1 =	srdreg.scid  }
0x8b: {  	s0 =	sand.u32 $0x1, s1  }
0x8c: {  	s17 =	sshll.u32 s0, $0xA;
	s2 =	sadd.s32 s3, s2  }
0x8d: {  	s2 =	sadd.s32 s2, s17  }
0x8e: {  	[smem:$0x3FBA] =	sst s2  }
0x8f: {  	_ = 	snop  }
0x90: {  	s2 =	sld [smem:$0x3FD0];
	(tm) =	ssettm $0x1  }
0x91: {  	s18 =	sld [smem:$0x3FFB];
	_ =	sdelay $0x3  }
0x92: {  	_ =	strace s18  }
0x93: {  	s3 =	sld [smem:$0x3FFC];
	_ =	sdelay $0x3  }
0x94: {  	_ =	strace s3  }
0x95: {  	s3 =	sld [smem:$0x3FFD];
	_ =	sdelay $0x3  }
0x96: {  	_ =	strace s3  }
0x97: {  	_ =	strace $0x8FFFFFFF  }
0x98: {  	s19 =	sld [smem:$0x3FDB];
	_ =	sdelay $0x1  }
0x99: {  	s4 =	simm.s32 $_scs_section_size  }
0x9a: {  	s5 =	simm.s32 $_size__tile_overlayer_lowered;
	s6 =	simm.s32 $_tile_overlayer_lowered  }
0x9b: {  	s22 =	simm.s32 $0x1BFF;
	s21 =	sshll.u32 s6, $0x1;
	s3 =	sadd.s32 s4, s19  }
0x9c: {  	s7 =	simm.s32 $0x0;
	s20 =	sshll.u32 s5, $0x1;
	s5 =	sadd.s32 s21, s3  }
0x9d: {  	[timem:s7], [sflag:s22] =	dma.local [hbm:s5], s20  }
0x9e: {  	_ =	swait.ge [sflag:s22], s20  }
0x9f: {  	s4 =	ssub.s32 $0x0, s20;
	[sflag:s22] =	ssyncset.done $0x0  }
0xa0: {  	[sflag:s22] =	ssyncadd.s32 s4;
	_ =	sdelay $0x1  }
0xa1: {  	s23 =	simm.s32 $0x1B8B  }
0xa2: {  	_ =	swait.ge [sflag:s23], $0x1  }
0xa3: {  	[sflag:s23] =	ssyncset.done $0x0  }
0xa4: {  	s25 =	simm.s32 $0x1B8E;
	s24 =	sld [smem:$0x3FFE];
	[sflag:s23] =	ssyncadd.s32 $0xFFFFFFFF  }
0xa5: {  	s26 =	simm.s32 $execute0_lowered;
	[smem:$0x3FD2] =	sst s25  }
0xa6: {  	s5 =	sshll.u32 s26, $0x1;
	_ =	strace $0x80000046;
	[dreg:$0x1] =	wrdreg $0xFFFFFFFF  }
0xa7: {  	s28 =	simm.s32 $_size_execute0_lowered;
	s3 =	sadd.s32 s3, s5;
	[dreg:$0x0] =	wrdreg $0x0  }
0xa8: {  	s5 =	sshll.u32 s28, $0x1;
	[dreg:$0x2] =	wrdreg s3  }
0xa9: {  	[dreg:$0x3] =	wrdreg s5  }
0xaa: {  	[dreg:$0x4] =	wrdreg $0xC0  }
0xab: {  	_ =	task [dreg:s7], $0x5FFFF  }
0xac: {  	[dreg:$0x1] =	wrdreg $0xFFFFFFFF  }
0xad: {  	[dreg:$0x0] =	wrdreg $0x60  }
0xae: {  	[dreg:$0x2] =	wrdreg s2  }
0xaf: {  	[dreg:$0x3] =	wrdreg s24  }
0xb0: {  	[dreg:$0x4] =	wrdreg $0x9  }
0xb1: {  	_ =	task.clear_ibuf [dreg:s7], $0x5FFFF;
	_ =	strace $0x90000046  }
0xb2: {  	s29 =	simm.s32 $0x9;
	_ =	strace $0x80000048  }
0xb3: {  	_ =	swait.ge [sflag:s29], $0x1  }
0xb4: {  	[sflag:s29] =	ssyncadd.s32 $0xFFFFFFFF  }
0xb5: {  	_ =	strace $0x90000048  }
0xb6: {  	_ =	sfence  }
0xb7: {  	s30 =	sld [smem:$0x0];
	_ =	sdelay $0x2  }
0xb8: {  	s31 =	sshll.u32 s1, $0xD;
	s1 =	sshrl.u32 s1, $0x2  }
0xb9: {  	s3 =	sand.u32 $0x4000, s31;
	s1 =	sadd.s32 s1, s30  }
0xba: {  	s0 =	sor.u32 s3, s0;
	s1 =	sshll.u32 s1, $0x11  }
0xbb: {  	s0 =	sor.u32 s1, s0  }
0xbc: {  	s0 =	sadd.s32 $0x8F2B, s0  }
0xbd: {  	[sflag:s0] =	ssyncadd.remote.s32 $0x1  }
0xbe: {  	_ =	sfence.sel $0xFFFF  }
0xbf: {  	[dreg:$0x0] =	wrdreg $0xFFFFFFFF;
	(pc) =	sbr.abs _section_cstart, $3  }
0xc0: {  	[dreg:$0x1] =	wrdreg $0xFFFFFFFF  }
0xc1: {  	_ =	task.clear_ibuf [dreg:s7], $0x2FFFF;
	_ =	strace $0x9FFFFFFF  }
0xc2: {  	(tm) =	ssettm $0x7FFFFFFF  }
0xc3: {  	_ =	shalt  }
tec
execute0_lowered:
.L_overlay_start_1:
0x0: {  	(tag) =	ssettag $0x1  }
0x1: {  	s1 =	rddreg [dreg:$0x0]  }
0x2: {  	s0 =	rddreg [dreg:$0x1];
	s3 =	simm.s32 $0x0  }
0x3: {  	s2 =	srdreg.scid;
	s9 =	stileid.u32;
	s10 =	simm.s32 $0x50  }
0x4: {  	s11 =	simm.s32 $0x4000;
	s13 =	simm.s32 $0x6800;
	s15 =	simm.s32 $0x9000  }
0x5: {  	s16 =	simm.s32 $0x1;
	s17 =	simm.s32 $0x2;
	s18 =	simm.s32 $0xE000  }
0x6: {  	s19 =	simm.s32 $0x3;
	s20 =	simm.s32 $0x10800;
	s21 =	simm.s32 $0x4  }
0x7: {  	s22 =	simm.s32 $0xB800;
	s23 =	simm.s32 $0x7;
	s28 =	simm.s32 $0x9  }
0x8: {  	s29 =	simm.s32 $0xA;
	s30 =	simm.s32 $0xB;
	s31 =	simm.s32 $0x6  }
0x9: {  	[smem:$0x7FF] =	sst s3;
	s2 =	sand.u32 $0x1, s2;
	s4 =	sshll.u32 s9, $0x1  }
0xa: {  	s9 =	smul.u32 $0x4E200, s9;
	_ =	strace $0x80000047;
	s4 =	sor.u32 s2, s4  }
0xb: {  	s6 =	ssub.s32 $0x2, s2;
	s2 =	smul.u32 $0x27100, s2;
	s5 =	sshll.u32 s4, $0xB  }
0xc: {  	s4 =	smul.u32 $0x7D, s4;
	s8 =	sshrl.u32 s6, $0x1;
	s7 =	sadd.s32 s5, s0  }
.Ltmp0:
0xd: {  	s5 =	sadd.s32 $0x11E00, s0;
	s24 =	ssub.s32 s6, s8;
	(pc) =	sbr.rel .LBB2_1-.Ltmp0, $4  }
0xe: {  	s25 =	sadd.s32 $0x1E00, s7;
	s0 =	smax.u32 s24, $0x1;
	s26 =	sadd.s32 s9, s5  }
0xf: {  	s9 =	simm.s32 $0xD;
	s24 =	simm.s32 $0x5;
	[dreg:$0x3] =	wrdreg s25  }
0x10: {  	[dreg:$0x4] =	wrdreg s0;
	s0 =	sadd.s32 s2, s26;
	s25 =	simm.s32 $0xC  }
0x11: {  	s26 =	simm.s32 $0x8;
	[dreg:$0x5] =	wrdreg s0;
	s0 =	simm.s32 $0x0  }
.LBB2_9:
0x12: {  	_ =	swait.ge [sflag:s25], $0x2800  }
0x13: {  	[sflag:s25] =	ssyncset.done $0x0  }
0x14: {  	[sflag:s25] =	ssyncadd.s32 $0xFFFFD800  }
0x15: {  	_ =	swait.ge [sflag:s23], $0x2800  }
0x16: {  	[sflag:s23] =	ssyncset.done $0x0  }
0x17: {  	[sflag:s23] =	ssyncadd.s32 $0xFFFFD800  }
0x18: {  	_ =	swait.ge [sflag:s26], $0x2800  }
0x19: {  	[sflag:s26] =	ssyncset.done $0x0  }
0x1a: {  	[sflag:s26] =	ssyncadd.s32 $0xFFFFD800  }
0x1b: {  	_ =	swait.ge [sflag:s28], $0x2800  }
0x1c: {  	[sflag:s28] =	ssyncset.done $0x0  }
0x1d: {  	[sflag:s28] =	ssyncadd.s32 $0xFFFFD800  }
0x1e: {  	_ =	swait.ge [sflag:s29], $0x2800  }
0x1f: {  	[sflag:s29] =	ssyncset.done $0x0  }
0x20: {  	[sflag:s29] =	ssyncadd.s32 $0xFFFFD800  }
0x21: {  	_ =	swait.ge [sflag:s30], $0x2800  }
0x22: {  	s0 =	sadd.s32 $0x1, s0;
	s2 =	rddreg [dreg:$0x4]  }
0x23: {  	p0 =	sne.s32 s0, s2  }
.Ltmp1:
0x24: {  	_ = 	snop;
	(pc) =	sbr.rel @!p0 .LBB2_10-.Ltmp1, $3  }
0x25: {  	_ =	sdelay $0x1  }
0x26: {  	[sflag:s30] =	ssyncset.done $0x0  }
0x27: {  	[sflag:s30] =	ssyncadd.s32 $0xFFFFD800  }
.LBB2_1:
0x28: {  	s2 =	rddreg [dreg:$0x3]  }
0x29: {  	[tilespmem:s3], [sflag:$0xD] =	stream.linear.gather [hbm4b:s2+s3], $0x3E80, $0x38;
	[tilespmem:$0x13000] =	vst v63  }
0x2a: {  	_ =	swait.ge [sflag:s9], $0x3E80  }
0x2b: {  	[sflag:s9] =	ssyncset.done $0x0  }
0x2c: {  	[sflag:s9] =	ssyncadd.s32 $0xFFFFC180  }
0x2d: {  	[tilespmem:s11], [sflag:$0x1] =	stream.indirect.gather [hbm4b:s1+s10], $0x80, s3, s10, $0xb8;
	[tilespmem:$0x13000] =	vst v63  }
0x2e: {  	s12 =	simm.s32 $0x80  }
0x2f: {  	[tilespmem:s13], [sflag:$0x2] =	stream.indirect.gather [hbm4b:s1+s10], $0x80, s12, s10, $0xb8;
	[tilespmem:$0x13000] =	vst v63  }
0x30: {  	s14 =	simm.s32 $0x100  }
0x31: {  	[tilespmem:s15], [sflag:$0x3] =	stream.indirect.gather [hbm4b:s1+s10], $0x80, s14, s10, $0xb8;
	[tilespmem:$0x13000] =	vst v63  }
0x32: {  	s2 =	simm.s32 $0x1;
	s8 =	rddreg [dreg:$0x5];
	s14 =	simm.s32 $0x0  }
.LBB2_2:
0x33: {  	_ =	swait.ge [sflag:s16], $0x2800  }
0x34: {  	p0 =	sne.s32 s14, $0x0;
	[sflag:s16] =	ssyncset.done $0x0  }
0x35: {  	s6 =	simm.s32 @p0 $0xA;
	[sflag:s16] =	ssyncadd.s32 $0xFFFFD800  }
0x36: {  	[hbm4b:s8+s3] =	stream.linear.scatter [tilespmem:s11], [sflag:$0x7], $0x2800, $0x38;
	[tilespmem:$0x13000] =	vst v63  }
0x37: {  	_ =	swait.ge @p0 [sflag:s6], $0x2800  }
0x38: {  	[sflag:s6] =	ssyncset.done @p0 $0x0  }
0x39: {  	[sflag:s6] =	ssyncadd.s32 @p0 $0xFFFFD800;
	s6 =	sshra.s32 @p0 s14, $0x2  }
0x3a: {  	s7 =	simm.s32 @p0 $0x50;
	s12 =	simm.s32 @p0 $0xB800;
	s6 =	sadd.s32 @p0 $0x180, s6  }
0x3b: {  	[tilespmem:s12], [sflag:$0x4] =	stream.indirect.gather @p0 [hbm4b:s1+s7], $0x80, s6, s7, $0xb8;
	[tilespmem:$0x13000] =	vst v63  }
0x3c: {  	s6 =	simm.s32 @!p0 $0x50;
	s7 =	simm.s32 @!p0 $0x180;
	s12 =	simm.s32 @!p0 $0xB800  }
0x3d: {  	[tilespmem:s12], [sflag:$0x4] =	stream.indirect.gather @!p0 [hbm4b:s1+s6], $0x80, s7, s6, $0xb8;
	[tilespmem:$0x13000] =	vst v63  }
0x3e: {  	s6 =	smov.u32 s2  }
0x3f: {  	s6 =	simm.s32 @!p0 $0x1  }
0x40: {  	s6 =	sadd.s32 s4, s6  }
0x41: {  	_ =	swait.ge [sflag:s17], $0x2800;
	s6 =	smul.u32 $0x500, s6  }
0x42: {  	p0 =	seq.s32 s14, $0x0;
	[sflag:s17] =	ssyncset.done $0x0  }
0x43: {  	s7 =	simm.s32 @!p0 $0xB;
	[sflag:s17] =	ssyncadd.s32 $0xFFFFD800;
	s6 =	sadd.s32 s5, s6  }
0x44: {  	[hbm4b:s6+s3] =	stream.linear.scatter [tilespmem:s13], [sflag:$0x8], $0x2800, $0x38;
	[tilespmem:$0x13000] =	vst v63  }
0x45: {  	_ =	swait.ge @!p0 [sflag:s7], $0x2800  }
0x46: {  	s6 =	sshra.s32 s14, $0x2;
	[sflag:s7] =	ssyncset.done @!p0 $0x0  }
0x47: {  	s12 =	sadd.s32 $0x200, s6;
	[sflag:s7] =	ssyncadd.s32 @!p0 $0xFFFFD800  }
0x48: {  	[tilespmem:s18], [sflag:$0x5] =	stream.indirect.gather [hbm4b:s1+s10], $0x80, s12, s10, $0xb8;
	[tilespmem:$0x13000] =	vst v63  }
.Ltmp2:
0x49: {  	_ = 	snop;
	(pc) =	sbr.rel @p0 .LBB2_5-.Ltmp2, $4  }
0x4a: {  	_ =	swait.ge [sflag:s19], $0x2800  }
0x4b: {  	[sflag:s19] =	ssyncset.done $0x0  }
0x4c: {  	s12 =	sadd.s32 $0xA00, s8;
	[sflag:s19] =	ssyncadd.s32 $0xFFFFD800  }
0x4d: {  	[hbm4b:s12+s3] =	stream.linear.scatter [tilespmem:s15], [sflag:$0x9], $0x2800, $0x38;
	[tilespmem:$0x13000] =	vst v63  }
0x4e: {  	p0 =	seq.s32 s14, $0xF000  }
.Ltmp3:
0x4f: {  	_ = 	snop;
	(pc) =	sbr.rel @!p0 .LBB2_4-.Ltmp3, $1  }
0x50: {  	_ =	sdelay $0x3  }
.Ltmp4:
0x51: {  	(pc) =	sbr.rel .LBB2_7-.Ltmp4, $4  }
0x52: {  	_ =	swait.ge [sflag:s21], $0x2800  }
0x53: {  	[sflag:s21] =	ssyncset.done $0x0  }
0x54: {  	s7 =	sadd.s32 $0xF00, s8;
	[sflag:s21] =	ssyncadd.s32 $0xFFFFD800  }
0x55: {  	[hbm4b:s7+s3] =	stream.linear.scatter [tilespmem:s22], [sflag:$0xA], $0x2800, $0x38;
	[tilespmem:$0x13000] =	vst v63  }
.LBB2_4:
0x56: {  	_ =	swait.ge [sflag:s25], $0x2800  }
0x57: {  	[sflag:s25] =	ssyncset.done $0x0  }
0x58: {  	[sflag:s25] =	ssyncadd.s32 $0xFFFFD800  }
.LBB2_5:
0x59: {  	s7 =	sadd.s32 $0x280, s6  }
0x5a: {  	[tilespmem:s20], [sflag:$0x6] =	stream.indirect.gather [hbm4b:s1+s10], $0x80, s7, s10, $0xb8;
	[tilespmem:$0x13000] =	vst v63  }
0x5b: {  	_ =	swait.ge [sflag:s21], $0x2800  }
0x5c: {  	[sflag:s21] =	ssyncset.done $0x0  }
0x5d: {  	s12 =	sadd.s32 $0xF00, s8;
	[sflag:s21] =	ssyncadd.s32 $0xFFFFD800  }
0x5e: {  	[hbm4b:s12+s3] =	stream.linear.scatter [tilespmem:s22], [sflag:$0xA], $0x2800, $0x38;
	[tilespmem:$0x13000] =	vst v63  }
0x5f: {  	_ =	swait.ge [sflag:s23], $0x2800  }
0x60: {  	[sflag:s23] =	ssyncset.done $0x0  }
0x61: {  	s12 =	sadd.s32 $0x300, s6;
	[sflag:s23] =	ssyncadd.s32 $0xFFFFD800  }
0x62: {  	[tilespmem:s11], [sflag:$0x1] =	stream.indirect.gather [hbm4b:s1+s10], $0x80, s12, s10, $0xb8;
	[tilespmem:$0x13000] =	vst v63  }
.LBB2_7:
0x63: {  	p0 =	seq.s32 s14, $0xF000  }
.Ltmp5:
0x64: {  	_ = 	snop;
	(pc) =	sbr.rel @p0 .LBB2_9-.Ltmp5, $4  }
0x65: {  	_ =	swait.ge [sflag:s24], $0x2800  }
0x66: {  	[sflag:s24] =	ssyncset.done $0x0  }
0x67: {  	s7 =	sadd.s32 $0x1400, s8;
	[sflag:s24] =	ssyncadd.s32 $0xFFFFD800  }
0x68: {  	[hbm4b:s7+s3] =	stream.linear.scatter [tilespmem:s18], [sflag:$0xB], $0x2800, $0x38;
	[tilespmem:$0x13000] =	vst v63  }
0x69: {  	_ =	swait.ge [sflag:s26], $0x2800  }
0x6a: {  	[sflag:s26] =	ssyncset.done $0x0  }
0x6b: {  	s7 =	sadd.s32 $0x380, s6;
	[sflag:s26] =	ssyncadd.s32 $0xFFFFD800  }
0x6c: {  	[tilespmem:s13], [sflag:$0x2] =	stream.indirect.gather [hbm4b:s1+s10], $0x80, s7, s10, $0xb8;
	[tilespmem:$0x13000] =	vst v63  }
0x6d: {  	_ =	swait.ge [sflag:s31], $0x2800  }
0x6e: {  	[sflag:s31] =	ssyncset.done $0x0  }
0x6f: {  	s12 =	sadd.s32 $0x1900, s8;
	[sflag:s31] =	ssyncadd.s32 $0xFFFFD800  }
0x70: {  	[hbm4b:s12+s3] =	stream.linear.scatter [tilespmem:s20], [sflag:$0xC], $0x2800, $0x38;
	[tilespmem:$0x13000] =	vst v63  }
.Ltmp6:
0x71: {  	_ = 	snop;
	(pc) =	sbr.rel .LBB2_2-.Ltmp6, $4  }
0x72: {  	_ =	swait.ge [sflag:s28], $0x2800  }
0x73: {  	s14 =	sadd.s32 $0xC00, s14;
	s8 =	sadd.s32 $0x1E00, s8;
	[sflag:s28] =	ssyncset.done $0x0  }
0x74: {  	s2 =	sadd.s32 $0x6, s2;
	s12 =	sadd.s32 $0x400, s6;
	[sflag:s28] =	ssyncadd.s32 $0xFFFFD800  }
0x75: {  	[tilespmem:s15], [sflag:$0x3] =	stream.indirect.gather [hbm4b:s1+s10], $0x80, s12, s10, $0xb8;
	[tilespmem:$0x13000] =	vst v63  }
.LBB2_10:
0x76: {  	_ =	sfence.sel $0x180000  }
0x77: {  	[bflag:$0x0] =	sbarrier.arrive $0xFFFF  }
0x78: {  	_ =	strace $0x90000047  }
0x79: {  	s0 =	stileid.u32;
	[bflag:$0x2] =	sbarrier.arrive $0xFFFF  }
0x7a: {  	p0 =	sne.s32 s0, $0x0;
	s0 =	rddreg [dreg:$0x2]  }
0x7b: {  	s0 =	sadd.s32 @!p0 $0x100000, s0  }
0x7c: {  	[sflag:s0] =	ssyncadd.tile.s32 @!p0 $0x1;
	_ =	shalt  }
.Lfunc_end2:
_tile_overlayer_lowered:
.L_overlay_start_2:
0x7d: {  	(tag) =	ssettag $0x2  }
0x7e: {  	s0 =	rddreg [dreg:$0x0];
	s2 =	stileid.u32  }
0x7f: {  	s1 =	rddreg [dreg:$0x1];
	p0 =	sne.s32 s2, $0x0  }
0x80: {  	s3 =	rddreg [dreg:$0x2];
	[bflag:$0x3] =	sbarrier.arrive $0xFFFF;
	s2 =	simm.s32 @!p0 $0x1C0D  }
0x81: {  	[timem:s3], [sflag:s2] =	dma.local @!p0 [hbm:s0], s1  }
0x82: {  	s0 =	simm.s32 @!p0 $0xD  }
0x83: {  	_ =	swait.ge @!p0 [sflag:s0], s1  }
0x84: {  	s1 =	ssub.s32 @!p0 $0x0, s1;
	[sflag:s0] =	ssyncset.done @!p0 $0x0  }
0x85: {  	[sflag:s0] =	ssyncadd.s32 @!p0 s1  }
0x86: {  	[bflag:$0x3] =	sbarrier.arrive $0xFFFF  }
0x87: {  	_ =	shalt  }

</sc_bundles>
